<compile_context>
chip_gen: v7x
topology: tpu7x:2x2x1
jax: 0.10.2.dev20260603
libtpu: 0.0.44.dev20260713+nightly
codegen_flags: <defaults>
</compile_context>

<pallas_src>
import functools

import jax
import jax.numpy as jnp
from jax import lax
from jax.experimental import pallas as pl
from jax.experimental.pallas import tpu as pltpu
from jax.experimental.pallas import tpu_sc as plsc

N = 10000
E = 320000
D = 128
OUT = 10
EPS = 1e-5

NC = 2
NS = 16
NW = NC * NS
NPAD = 10240
RPT = NPAD // NS
CH = 128
NCHUNK = 80
NB = 2
EPAD = NW * NCHUNK * CH

RB = 1280
GRID = NPAD // RB

_mesh = plsc.VectorSubcoreMesh(
    core_axis_name="c", subcore_axis_name="s", num_cores=NC, num_subcores=NS
)



def _sc_count_body(
    dst_hbm, ones_hbm, zeros_hbm, out_hbm, idx1_v, ones_v, acc
):
    cid = lax.axis_index("c")
    sid = lax.axis_index("s")
    wid = cid * NS + sid
    pltpu.sync_copy(zeros_hbm, acc.at[pl.ds(sid * RPT, RPT)])
    pltpu.sync_copy(ones_hbm, ones_v)
    plsc.subcore_barrier()

    def body(j, carry):
        pltpu.sync_copy(dst_hbm.at[pl.ds((wid * NCHUNK + j) * CH, CH)], idx1_v)
        pltpu.sync_copy(ones_v, acc.at[idx1_v], add=True)
        return carry

    lax.fori_loop(0, NCHUNK, body, 0)
    plsc.subcore_barrier()
    pltpu.sync_copy(
        acc.at[pl.ds(sid * RPT, RPT)], out_hbm.at[cid, pl.ds(sid * RPT, RPT)]
    )


def _sc_scatter_rows_body(
    g_hbm, src_hbm, dst_hbm, zeros_hbm, out_hbm, src_v, dst_v, rows_v, acc, sem
):
    cid = lax.axis_index("c")
    sid = lax.axis_index("s")
    wid = cid * NS + sid
    pltpu.sync_copy(zeros_hbm, acc.at[pl.ds(sid * RPT, RPT)])
    plsc.subcore_barrier()

    def body(j, carry):
        row0 = (wid * NCHUNK + j) * CH
        pltpu.sync_copy(src_hbm.at[pl.ds(row0, CH)], src_v)
        pltpu.sync_copy(dst_hbm.at[pl.ds(row0, CH)], dst_v)
        pltpu.async_copy(g_hbm.at[src_v], rows_v, sem).wait()
        pltpu.sync_copy(rows_v, acc.at[dst_v], add=True)
        return carry

    lax.fori_loop(0, NCHUNK, body, 0)
    plsc.subcore_barrier()
    pltpu.sync_copy(
        acc.at[pl.ds(sid * RPT, RPT)], out_hbm.at[cid, pl.ds(sid * RPT, RPT)]
    )


def _make_sc_count(interpret=False):
    return functools.partial(
        pl.kernel,
        out_type=jax.ShapeDtypeStruct((NC, NPAD, 1), jnp.float32),
        mesh=_mesh,
        scratch_types=[
            pltpu.VMEM((CH,), jnp.int32),
            pltpu.VMEM((CH, 1), jnp.float32),
            pltpu.VMEM_SHARED((NPAD, 1), jnp.float32),
        ],
        interpret=interpret,
    )(_sc_count_body)


def _make_sc_scatter_rows(interpret=False):
    return functools.partial(
        pl.kernel,
        out_type=jax.ShapeDtypeStruct((NC, NPAD, D), jnp.float32),
        mesh=_mesh,
        scratch_types=(
            [pltpu.VMEM((CH,), jnp.int32) for _ in range(2)]
            + [pltpu.VMEM((CH, D), jnp.float32)]
            + [pltpu.VMEM_SHARED((NPAD, D), jnp.float32)]
            + [pltpu.SemaphoreType.DMA]
        ),
        interpret=interpret,
    )(_sc_scatter_rows_body)


_sc_count = _make_sc_count()
_sc_scatter_rows = _make_sc_scatter_rows()



def _tc1_body(x_ref, w_ref, cnt_ref, g_ref, h0_ref, dinv_ref, minv_ref):
    h0 = jnp.dot(x_ref[...], w_ref[...], preferred_element_type=jnp.float32)
    p = cnt_ref[0] + cnt_ref[1]
    dinv = lax.rsqrt(p + 1.0)
    h0_ref[...] = h0
    g_ref[...] = h0 * dinv
    dinv_ref[...] = dinv
    minv_ref[...] = 1.0 / jnp.maximum(p, 1.0)


def _tc2_body(s_ref, h0_ref, dinv_ref, pv_ref, h1_ref):
    s = s_ref[0] + s_ref[1]
    dinv = dinv_ref[...]
    agg = dinv * s + (dinv * dinv) * h0_ref[...] + pv_ref[0:1, :]
    a1 = pv_ref[1:2, :] * lax.rsqrt(pv_ref[4:5, :] + EPS)
    h1_ref[...] = jnp.maximum(a1 * (agg - pv_ref[3:4, :]) + pv_ref[2:3, :], 0.0)


def _tc3_body(
    t_ref, h1_ref, minv_ref, wsl_ref, wsr_ref, pv_ref, wl1_ref, wl2_ref,
    bl2_ref, out_ref
):
    mean = (t_ref[0] + t_ref[1]) * minv_ref[...]
    z = (
        jnp.dot(mean, wsl_ref[...], preferred_element_type=jnp.float32)
        + jnp.dot(h1_ref[...], wsr_ref[...], preferred_element_type=jnp.float32)
        + pv_ref[0:1, :]
    )
    a2 = pv_ref[1:2, :] * lax.rsqrt(pv_ref[4:5, :] + EPS)
    h2 = jnp.maximum(a2 * (z - pv_ref[3:4, :]) + pv_ref[2:3, :], 0.0)
    h3 = jnp.maximum(
        jnp.dot(h2, wl1_ref[...], preferred_element_type=jnp.float32)
        + pv_ref[5:6, :],
        0.0,
    )
    logits = (
        jnp.dot(h3, wl2_ref[...], preferred_element_type=jnp.float32)
        + bl2_ref[0:1, :]
    )
    m = jnp.max(logits, axis=1, keepdims=True)
    lse = m + jnp.log(jnp.sum(jnp.exp(logits - m), axis=1, keepdims=True))
    out_ref[...] = logits - lse


def _row_spec(shape):
    return pl.BlockSpec(shape, lambda i: (i, 0))


def _full_spec(shape):
    nd = len(shape)
    return pl.BlockSpec(shape, lambda i, _nd=nd: (0,) * _nd)


_tc1 = pl.pallas_call(
    _tc1_body,
    grid=(GRID,),
    in_specs=[
        _row_spec((RB, D)),
        _full_spec((D, D)),
        pl.BlockSpec((NC, RB, 1), lambda i: (0, i, 0)),
    ],
    out_specs=[
        _row_spec((RB, D)),
        _row_spec((RB, D)),
        _row_spec((RB, 1)),
        _row_spec((RB, 1)),
    ],
    out_shape=[
        jax.ShapeDtypeStruct((NPAD, D), jnp.float32),
        jax.ShapeDtypeStruct((NPAD, D), jnp.float32),
        jax.ShapeDtypeStruct((NPAD, 1), jnp.float32),
        jax.ShapeDtypeStruct((NPAD, 1), jnp.float32),
    ],
)

_tc2 = pl.pallas_call(
    _tc2_body,
    grid=(GRID,),
    in_specs=[
        pl.BlockSpec((NC, RB, D), lambda i: (0, i, 0)),
        _row_spec((RB, D)),
        _row_spec((RB, 1)),
        _full_spec((5, D)),
    ],
    out_specs=_row_spec((RB, D)),
    out_shape=jax.ShapeDtypeStruct((NPAD, D), jnp.float32),
)

_tc3 = pl.pallas_call(
    _tc3_body,
    grid=(GRID,),
    in_specs=[
        pl.BlockSpec((NC, RB, D), lambda i: (0, i, 0)),
        _row_spec((RB, D)),
        _row_spec((RB, 1)),
        _full_spec((D, D)),
        _full_spec((D, D)),
        _full_spec((6, D)),
        _full_spec((D, D)),
        _full_spec((D, D)),
        _full_spec((1, D)),
    ],
    out_specs=_row_spec((RB, D)),
    out_shape=jax.ShapeDtypeStruct((NPAD, D), jnp.float32),
)


def kernel(x, edge_index, batch, W_gcn, b_gcn, bn1_gamma, bn1_beta, bn1_mean,
           bn1_var, W_sage_l, b_sage_l, W_sage_r, bn2_gamma, bn2_beta,
           bn2_mean, bn2_var, W_lin1, b_lin1, W_lin2, b_lin2):
    del batch
    pad_i = jnp.arange(EPAD - E, dtype=jnp.int32)
    src = jnp.concatenate([edge_index[0], pad_i % N])
    dst = jnp.concatenate([edge_index[1], N + pad_i % (NPAD - N)])
    ones_col = jnp.ones((CH, 1), jnp.float32)
    zeros_col = jnp.zeros((RPT, 1), jnp.float32)
    zeros_rows = jnp.zeros((RPT, D), jnp.float32)
    xpad = jnp.pad(x, ((0, NPAD - N), (0, 0)))

    cnt = _sc_count(dst, ones_col, zeros_col)

    g, h0, dinv, minv = _tc1(xpad, W_gcn, cnt)

    s_part = _sc_scatter_rows(g, src, dst, zeros_rows)

    pv1 = jnp.stack([b_gcn, bn1_gamma, bn1_beta, bn1_mean, bn1_var])
    h1 = _tc2(s_part, h0, dinv, pv1)

    t_part = _sc_scatter_rows(h1, src, dst, zeros_rows)

    wl1 = jnp.zeros((D, D), jnp.float32).at[:, : D // 2].set(W_lin1)
    bl1 = jnp.zeros((D,), jnp.float32).at[: D // 2].set(b_lin1)
    wl2 = jnp.zeros((D, D), jnp.float32).at[: D // 2, :OUT].set(W_lin2)
    bl2 = jnp.full((1, D), -1e30, jnp.float32).at[0, :OUT].set(b_lin2)
    pv2 = jnp.stack([b_sage_l, bn2_gamma, bn2_beta, bn2_mean, bn2_var, bl1])

    out = _tc3(t_part, h1, minv, W_sage_l, W_sage_r, pv2, wl1, wl2, bl2)
    return out[:N, :OUT]

# --- scband reference (transcript-rebuilt; emitter-appended) ---
"""Pipeline reference for scband-gcn-46995532153066 (READ-ONLY COPY).

The authoritative reference and input builder live on the scoring server;
editing this copy changes nothing except your own understanding.
"""

import jax, jax.numpy as jnp
import numpy as np

N = 10000
E = 320000
D = 128
NG = 16
OUT = 10
EPS = 1e-5


def setup_inputs(seed: int = 0) -> dict:
    key = jax.random.key(seed)
    ks = jax.random.split(key, 12)
    s = 1.0 / np.sqrt(D)
    x = jax.random.normal(ks[0], (N, D), dtype=jnp.float32)
    edge_index = jax.random.randint(ks[1], (2, E), 0, N, dtype=jnp.int32)
    batch = jnp.sort(jax.random.randint(ks[2], (N,), 0, NG, dtype=jnp.int32))
    return {
        "x": x,
        "edge_index": edge_index,
        "batch": batch,
        "W_gcn": jax.random.normal(ks[3], (D, D), dtype=jnp.float32) * s,
        "b_gcn": jnp.zeros((D,), jnp.float32),
        "bn1_gamma": jnp.ones((D,), jnp.float32),
        "bn1_beta": jnp.zeros((D,), jnp.float32),
        "bn1_mean": jnp.zeros((D,), jnp.float32),
        "bn1_var": jnp.ones((D,), jnp.float32),
        "W_sage_l": jax.random.normal(ks[4], (D, D), dtype=jnp.float32) * s,
        "b_sage_l": jnp.zeros((D,), jnp.float32),
        "W_sage_r": jax.random.normal(ks[5], (D, D), dtype=jnp.float32) * s,
        "bn2_gamma": jnp.ones((D,), jnp.float32),
        "bn2_beta": jnp.zeros((D,), jnp.float32),
        "bn2_mean": jnp.zeros((D,), jnp.float32),
        "bn2_var": jnp.ones((D,), jnp.float32),
        "W_lin1": jax.random.normal(ks[6], (D, D // 2), dtype=jnp.float32) * s,
        "b_lin1": jnp.zeros((D // 2,), jnp.float32),
        "W_lin2": jax.random.normal(ks[7], (D // 2, OUT), dtype=jnp.float32) * (1.0 / np.sqrt(D // 2)),
        "b_lin2": jnp.zeros((OUT,), jnp.float32),
    }


def gcn_conv(x, edge_index, W, b):
    # PyG GCNConv: h = X W; add self loops; D^{-1/2} A_hat D^{-1/2} h; + bias
    src = edge_index[0]
    dst = edge_index[1]
    loop = jnp.arange(N, dtype=src.dtype)
    src2 = jnp.concatenate([src, loop])
    dst2 = jnp.concatenate([dst, loop])
    deg = jnp.zeros((N,), jnp.float32).at[dst2].add(1.0)
    dinv = jax.lax.rsqrt(deg)
    norm = dinv[src2] * dinv[dst2]
    h = x @ W
    msg = h[src2] * norm[:, None]
    agg = jnp.zeros((N, h.shape[1]), jnp.float32).at[dst2].add(msg)
    return agg + b


def sage_conv(x, edge_index, W_l, b_l, W_r):
    # PyG SAGEConv (mean aggr): lin_l(mean_{j in N(i)} x_j) + lin_r(x_i)
    src = edge_index[0]
    dst = edge_index[1]
    cnt = jnp.zeros((N,), jnp.float32).at[dst].add(1.0)
    summ = jnp.zeros((N, x.shape[1]), jnp.float32).at[dst].add(x[src])
    mean = summ / jnp.maximum(cnt, 1.0)[:, None]
    return mean @ W_l + b_l + x @ W_r


def bn_eval(x, gamma, beta, mean, var):
    return (x - mean) * jax.lax.rsqrt(var + EPS) * gamma + beta


def gap(x, batch):
    sums = jax.ops.segment_sum(x, batch, num_segments=NG)
    cnts = jax.ops.segment_sum(jnp.ones((x.shape[0],), jnp.float32), batch, num_segments=NG)
    return sums / jnp.maximum(cnts, 1.0)[:, None]


def reference(x, edge_index, batch, W_gcn, b_gcn, bn1_gamma, bn1_beta, bn1_mean, bn1_var, W_sage_l, b_sage_l, W_sage_r, bn2_gamma, bn2_beta, bn2_mean, bn2_var, W_lin1, b_lin1, W_lin2, b_lin2):
    h = gcn_conv(x, edge_index, W_gcn, b_gcn)
    h = bn_eval(h, bn1_gamma, bn1_beta, bn1_mean, bn1_var)
    h = jax.nn.relu(h)
    x1 = gap(h, batch)  # computed in original forward (stored, not returned)
    h = sage_conv(h, edge_index, W_sage_l, b_sage_l, W_sage_r)
    h = bn_eval(h, bn2_gamma, bn2_beta, bn2_mean, bn2_var)
    h = jax.nn.relu(h)
    x2 = gap(h, batch)  # computed in original forward (stored, not returned)
    # dropout is identity in eval mode
    h = jax.nn.relu(h @ W_lin1 + b_lin1)
    h = h @ W_lin2 + b_lin2
    out = h - jax.nn.logsumexp(h, axis=1, keepdims=True)
    return out

if __name__ == "__main__":
    import jax
    _d = setup_inputs()
    print(jax.jit(kernel)(*tuple(_d.values())))

</pallas_src>

<mosaic_0001>
#map = affine_map<(d0, d1) -> (0, 0)>
#map1 = affine_map<(d0, d1) -> (0)>
#map2 = affine_map<(d0, d1) -> (0, 0, 0)>
module attributes {stable_mosaic.version = 14 : i64} {
  func.func @_sc_scatter_rows_body(%arg0: i32, %arg1: i32, %arg2: memref<10240x128xf32, #tpu.memory_space<hbm>>, %arg3: memref<327680xi32, #tpu.memory_space<hbm>>, %arg4: memref<327680xi32, #tpu.memory_space<hbm>>, %arg5: memref<640x128xf32, #tpu.memory_space<hbm>>, %arg6: memref<2x10240x128xf32, #tpu.memory_space<hbm>>, %arg7: memref<128xi32, #tpu.memory_space<vmem>>, %arg8: memref<128xi32, #tpu.memory_space<vmem>>, %arg9: memref<128x128xf32, #tpu.memory_space<vmem>>, %arg10: memref<10240x128xf32, #tpu.memory_space<vmem_shared>>, %arg11: memref<!tpu.dma_semaphore, #tpu.memory_space<semaphore_mem>>) attributes {dimension_semantics = [#tpu.dimension_semantics<core_parallel>, #tpu.dimension_semantics<subcore_parallel>], iteration_bounds = array<i64: 2, 16>, scalar_prefetch = 0 : i64, scratch_operands = 5 : i64, tpu.core_type = #tpu.core_type<sc_vector_subcore>, window_params = [{transform_indices = #map}, {transform_indices = #map1}, {transform_indices = #map1}, {transform_indices = #map}, {transform_indices = #map2}]} {
    %mul3A = arith.constant 16 : i32
    %mul3A_0 = arith.muli %arg0, %mul3A : i32
    %add3A = arith.addi %mul3A_0, %arg1 : i32
    %mul3A_1 = arith.constant 640 : i32
    %mul3A_2 = arith.muli %arg1, %mul3A_1 : i32
    "tpu.region"() ({
      %run_scoped3A = tpu.sem_alloc : memref<!tpu.dma_semaphore, #tpu.memory_space<semaphore_mem>>
      %dma_start3A = arith.constant 0 : i32
      %dma_start3A_13 = tpu.memref_slice %arg10[%mul3A_2, %dma_start3A] : memref<10240x128xf32, #tpu.memory_space<vmem_shared>> -> memref<640x128xf32, #tpu.memory_space<vmem_shared>>
      tpu.enqueue_dma source(%arg5 : memref<640x128xf32, #tpu.memory_space<hbm>>) target(%dma_start3A_13 : memref<640x128xf32, #tpu.memory_space<vmem_shared>>) target_semaphore(%run_scoped3A : memref<!tpu.dma_semaphore, #tpu.memory_space<semaphore_mem>>)
      %dma_wait3A = arith.constant 0 : i32
      %dma_wait3A_14 = tpu.memref_slice %arg10[%mul3A_2, %dma_wait3A] : memref<10240x128xf32, #tpu.memory_space<vmem_shared>> -> memref<640x128xf32, #tpu.memory_space<vmem_shared>>
      tpu.wait_dma2 semaphore(%run_scoped3A : memref<!tpu.dma_semaphore, #tpu.memory_space<semaphore_mem>>) src(%arg5 : memref<640x128xf32, #tpu.memory_space<hbm>>) dst(%dma_wait3A_14 : memref<640x128xf32, #tpu.memory_space<vmem_shared>>)
      tpu.yield
    }) : () -> ()
    %barrier3A = arith.constant 0 : index
    tpu.barrier barrier_id(%barrier3A)
    %scan3A = arith.constant 0 : i32
    %scan3A_3 = arith.constant 0 : i32
    %scan3A_4 = arith.constant 80 : i32
    %scan3A_5 = arith.addi %scan3A_3, %scan3A_4 : i32
    %scan3A_6 = arith.constant 1 : i32
    scf.for %scan3A_13 = %scan3A_3 to %scan3A_5 step %scan3A_6  : i32 {
      %mul3A_14 = arith.constant 80 : i32
      %mul3A_15 = arith.muli %add3A, %mul3A_14 : i32
      %add3A_16 = arith.addi %mul3A_15, %scan3A_13 : i32
      %mul3A_17 = arith.constant 128 : i32
      %mul3A_18 = arith.muli %add3A_16, %mul3A_17 : i32
      "tpu.region"() ({
        %run_scoped3A = tpu.sem_alloc : memref<!tpu.dma_semaphore, #tpu.memory_space<semaphore_mem>>
        %dma_start3A_23 = tpu.memref_slice %arg3[%mul3A_18] : memref<327680xi32, #tpu.memory_space<hbm>> -> memref<128xi32, #tpu.memory_space<hbm>>
        %dma_start3A_24 = tpu.memref_slice %arg3[%mul3A_18] : memref<327680xi32, #tpu.memory_space<hbm>> -> memref<128xi32, #tpu.memory_space<hbm>>
        tpu.enqueue_dma source(%dma_start3A_24 : memref<128xi32, #tpu.memory_space<hbm>>) target(%arg7 : memref<128xi32, #tpu.memory_space<vmem>>) target_semaphore(%run_scoped3A : memref<!tpu.dma_semaphore, #tpu.memory_space<semaphore_mem>>)
        %dma_wait3A_25 = tpu.memref_slice %arg3[%mul3A_18] : memref<327680xi32, #tpu.memory_space<hbm>> -> memref<128xi32, #tpu.memory_space<hbm>>
        %dma_wait3A_26 = tpu.memref_slice %arg3[%mul3A_18] : memref<327680xi32, #tpu.memory_space<hbm>> -> memref<128xi32, #tpu.memory_space<hbm>>
        tpu.wait_dma2 semaphore(%run_scoped3A : memref<!tpu.dma_semaphore, #tpu.memory_space<semaphore_mem>>) src(%dma_wait3A_26 : memref<128xi32, #tpu.memory_space<hbm>>) dst(%arg7 : memref<128xi32, #tpu.memory_space<vmem>>)
        tpu.yield
      }) : () -> ()
      "tpu.region"() ({
        %run_scoped3A = tpu.sem_alloc : memref<!tpu.dma_semaphore, #tpu.memory_space<semaphore_mem>>
        %dma_start3A_23 = tpu.memref_slice %arg4[%mul3A_18] : memref<327680xi32, #tpu.memory_space<hbm>> -> memref<128xi32, #tpu.memory_space<hbm>>
        %dma_start3A_24 = tpu.memref_slice %arg4[%mul3A_18] : memref<327680xi32, #tpu.memory_space<hbm>> -> memref<128xi32, #tpu.memory_space<hbm>>
        tpu.enqueue_dma source(%dma_start3A_24 : memref<128xi32, #tpu.memory_space<hbm>>) target(%arg8 : memref<128xi32, #tpu.memory_space<vmem>>) target_semaphore(%run_scoped3A : memref<!tpu.dma_semaphore, #tpu.memory_space<semaphore_mem>>)
        %dma_wait3A_25 = tpu.memref_slice %arg4[%mul3A_18] : memref<327680xi32, #tpu.memory_space<hbm>> -> memref<128xi32, #tpu.memory_space<hbm>>
        %dma_wait3A_26 = tpu.memref_slice %arg4[%mul3A_18] : memref<327680xi32, #tpu.memory_space<hbm>> -> memref<128xi32, #tpu.memory_space<hbm>>
        tpu.wait_dma2 semaphore(%run_scoped3A : memref<!tpu.dma_semaphore, #tpu.memory_space<semaphore_mem>>) src(%dma_wait3A_26 : memref<128xi32, #tpu.memory_space<hbm>>) dst(%arg8 : memref<128xi32, #tpu.memory_space<vmem>>)
        tpu.yield
      }) : () -> ()
      %dma_start3A = arith.constant 0 : i32
      %dma_start3A_19 = arith.constant 0 : i32
      %dma_start3A_20 = tpu.memref_slice %arg2[%dma_start3A, %dma_start3A_19] : memref<10240x128xf32, #tpu.memory_space<hbm>> -> memref<10240x128xf32, #tpu.memory_space<hbm>>
      tpu.enqueue_indirect_dma source(%dma_start3A_20 : memref<10240x128xf32, #tpu.memory_space<hbm>>) target(%arg9 : memref<128x128xf32, #tpu.memory_space<vmem>>) offsets(%arg7 : memref<128xi32, #tpu.memory_space<vmem>>) semaphore(%arg11 : memref<!tpu.dma_semaphore, #tpu.memory_space<semaphore_mem>>)
      %dma_wait3A = arith.constant 0 : i32
      %dma_wait3A_21 = arith.constant 0 : i32
      %dma_wait3A_22 = tpu.memref_slice %arg2[%dma_wait3A, %dma_wait3A_21] : memref<10240x128xf32, #tpu.memory_space<hbm>> -> memref<10240x128xf32, #tpu.memory_space<hbm>>
      tpu.wait_indirect_dma semaphore(%arg11 : memref<!tpu.dma_semaphore, #tpu.memory_space<semaphore_mem>>) src(%dma_wait3A_22 : memref<10240x128xf32, #tpu.memory_space<hbm>>) dst(%arg9 : memref<128x128xf32, #tpu.memory_space<vmem>>)
      "tpu.region"() ({
        %run_scoped3A = tpu.sem_alloc : memref<!tpu.dma_semaphore, #tpu.memory_space<semaphore_mem>>
        %dma_start3A_23 = arith.constant 0 : i32
        %dma_start3A_24 = arith.constant 0 : i32
        %dma_start3A_25 = tpu.memref_slice %arg10[%dma_start3A_23, %dma_start3A_24] : memref<10240x128xf32, #tpu.memory_space<vmem_shared>> -> memref<10240x128xf32, #tpu.memory_space<vmem_shared>>
        tpu.enqueue_indirect_dma source(%arg9 : memref<128x128xf32, #tpu.memory_space<vmem>>) target(%dma_start3A_25 : memref<10240x128xf32, #tpu.memory_space<vmem_shared>>) offsets(%arg8 : memref<128xi32, #tpu.memory_space<vmem>>) semaphore(%run_scoped3A : memref<!tpu.dma_semaphore, #tpu.memory_space<semaphore_mem>>) {add = true}
        %dma_wait3A_26 = arith.constant 0 : i32
        %dma_wait3A_27 = arith.constant 0 : i32
        %dma_wait3A_28 = tpu.memref_slice %arg10[%dma_wait3A_26, %dma_wait3A_27] : memref<10240x128xf32, #tpu.memory_space<vmem_shared>> -> memref<10240x128xf32, #tpu.memory_space<vmem_shared>>
        tpu.wait_indirect_dma semaphore(%run_scoped3A : memref<!tpu.dma_semaphore, #tpu.memory_space<semaphore_mem>>) src(%arg9 : memref<128x128xf32, #tpu.memory_space<vmem>>) dst(%dma_wait3A_28 : memref<10240x128xf32, #tpu.memory_space<vmem_shared>>)
        tpu.yield
      }) : () -> ()
    }
    %scan3A_7 = arith.constant 80 : i32
    %barrier3A_8 = arith.constant 0 : index
    tpu.barrier barrier_id(%barrier3A_8)
    %mul3A_9 = arith.constant 640 : i32
    %mul3A_10 = arith.muli %arg1, %mul3A_9 : i32
    %mul3A_11 = arith.constant 640 : i32
    %mul3A_12 = arith.muli %arg1, %mul3A_11 : i32
    "tpu.region"() ({
      %run_scoped3A = tpu.sem_alloc : memref<!tpu.dma_semaphore, #tpu.memory_space<semaphore_mem>>
      %dma_start3A = arith.constant 0 : i32
      %dma_start3A_13 = tpu.memref_slice %arg6[%arg0, %mul3A_12, %dma_start3A] : memref<2x10240x128xf32, #tpu.memory_space<hbm>> -> memref<1x640x128xf32, #tpu.memory_space<hbm>>
      %dma_start3A_14 = tpu.memref_squeeze %dma_start3A_13 : memref<1x640x128xf32, #tpu.memory_space<hbm>> -> memref<640x128xf32, #tpu.memory_space<hbm>>
      %dma_start3A_15 = arith.constant 0 : i32
      %dma_start3A_16 = tpu.memref_slice %arg10[%mul3A_10, %dma_start3A_15] : memref<10240x128xf32, #tpu.memory_space<vmem_shared>> -> memref<640x128xf32, #tpu.memory_space<vmem_shared>>
      tpu.enqueue_dma source(%dma_start3A_16 : memref<640x128xf32, #tpu.memory_space<vmem_shared>>) target(%dma_start3A_14 : memref<640x128xf32, #tpu.memory_space<hbm>>) target_semaphore(%run_scoped3A : memref<!tpu.dma_semaphore, #tpu.memory_space<semaphore_mem>>)
      %dma_wait3A = arith.constant 0 : i32
      %dma_wait3A_17 = tpu.memref_slice %arg6[%arg0, %mul3A_12, %dma_wait3A] : memref<2x10240x128xf32, #tpu.memory_space<hbm>> -> memref<1x640x128xf32, #tpu.memory_space<hbm>>
      %dma_wait3A_18 = tpu.memref_squeeze %dma_wait3A_17 : memref<1x640x128xf32, #tpu.memory_space<hbm>> -> memref<640x128xf32, #tpu.memory_space<hbm>>
      %dma_wait3A_19 = arith.constant 0 : i32
      %dma_wait3A_20 = tpu.memref_slice %arg10[%mul3A_10, %dma_wait3A_19] : memref<10240x128xf32, #tpu.memory_space<vmem_shared>> -> memref<640x128xf32, #tpu.memory_space<vmem_shared>>
      tpu.wait_dma2 semaphore(%run_scoped3A : memref<!tpu.dma_semaphore, #tpu.memory_space<semaphore_mem>>) src(%dma_wait3A_20 : memref<640x128xf32, #tpu.memory_space<vmem_shared>>) dst(%dma_wait3A_18 : memref<640x128xf32, #tpu.memory_space<hbm>>)
      tpu.yield
    }) : () -> ()
    return
  }
}

#map = affine_map<(d0, d1) -> (0)>
#map1 = affine_map<(d0, d1) -> (0, 0)>
#map2 = affine_map<(d0, d1) -> (0, 0, 0)>
module attributes {stable_mosaic.version = 14 : i64} {
  func.func @_sc_count_body(%arg0: i32, %arg1: i32, %arg2: memref<327680xi32, #tpu.memory_space<hbm>>, %arg3: memref<128x1xf32, #tpu.memory_space<hbm>>, %arg4: memref<640x1xf32, #tpu.memory_space<hbm>>, %arg5: memref<2x10240x1xf32, #tpu.memory_space<hbm>>, %arg6: memref<128xi32, #tpu.memory_space<vmem>>, %arg7: memref<128x1xf32, #tpu.memory_space<vmem>>, %arg8: memref<10240x1xf32, #tpu.memory_space<vmem_shared>>) attributes {dimension_semantics = [#tpu.dimension_semantics<core_parallel>, #tpu.dimension_semantics<subcore_parallel>], iteration_bounds = array<i64: 2, 16>, scalar_prefetch = 0 : i64, scratch_operands = 3 : i64, tpu.core_type = #tpu.core_type<sc_vector_subcore>, window_params = [{transform_indices = #map}, {transform_indices = #map1}, {transform_indices = #map1}, {transform_indices = #map2}]} {
    %mul3A = arith.constant 16 : i32
    %mul3A_0 = arith.muli %arg0, %mul3A : i32
    %add3A = arith.addi %mul3A_0, %arg1 : i32
    %mul3A_1 = arith.constant 640 : i32
    %mul3A_2 = arith.muli %arg1, %mul3A_1 : i32
    "tpu.region"() ({
      %run_scoped3A = tpu.sem_alloc : memref<!tpu.dma_semaphore, #tpu.memory_space<semaphore_mem>>
      %dma_start3A = arith.constant 0 : i32
      %dma_start3A_13 = tpu.memref_slice %arg8[%mul3A_2, %dma_start3A] : memref<10240x1xf32, #tpu.memory_space<vmem_shared>> -> memref<640x1xf32, #tpu.memory_space<vmem_shared>>
      tpu.enqueue_dma source(%arg4 : memref<640x1xf32, #tpu.memory_space<hbm>>) target(%dma_start3A_13 : memref<640x1xf32, #tpu.memory_space<vmem_shared>>) target_semaphore(%run_scoped3A : memref<!tpu.dma_semaphore, #tpu.memory_space<semaphore_mem>>)
      %dma_wait3A = arith.constant 0 : i32
      %dma_wait3A_14 = tpu.memref_slice %arg8[%mul3A_2, %dma_wait3A] : memref<10240x1xf32, #tpu.memory_space<vmem_shared>> -> memref<640x1xf32, #tpu.memory_space<vmem_shared>>
      tpu.wait_dma2 semaphore(%run_scoped3A : memref<!tpu.dma_semaphore, #tpu.memory_space<semaphore_mem>>) src(%arg4 : memref<640x1xf32, #tpu.memory_space<hbm>>) dst(%dma_wait3A_14 : memref<640x1xf32, #tpu.memory_space<vmem_shared>>)
      tpu.yield
    }) : () -> ()
    "tpu.region"() ({
      %run_scoped3A = tpu.sem_alloc : memref<!tpu.dma_semaphore, #tpu.memory_space<semaphore_mem>>
      tpu.enqueue_dma source(%arg3 : memref<128x1xf32, #tpu.memory_space<hbm>>) target(%arg7 : memref<128x1xf32, #tpu.memory_space<vmem>>) target_semaphore(%run_scoped3A : memref<!tpu.dma_semaphore, #tpu.memory_space<semaphore_mem>>)
      tpu.wait_dma2 semaphore(%run_scoped3A : memref<!tpu.dma_semaphore, #tpu.memory_space<semaphore_mem>>) src(%arg3 : memref<128x1xf32, #tpu.memory_space<hbm>>) dst(%arg7 : memref<128x1xf32, #tpu.memory_space<vmem>>)
      tpu.yield
    }) : () -> ()
    %barrier3A = arith.constant 0 : index
    tpu.barrier barrier_id(%barrier3A)
    %scan3A = arith.constant 0 : i32
    %scan3A_3 = arith.constant 0 : i32
    %scan3A_4 = arith.constant 80 : i32
    %scan3A_5 = arith.addi %scan3A_3, %scan3A_4 : i32
    %scan3A_6 = arith.constant 1 : i32
    scf.for %scan3A_13 = %scan3A_3 to %scan3A_5 step %scan3A_6  : i32 {
      %mul3A_14 = arith.constant 80 : i32
      %mul3A_15 = arith.muli %add3A, %mul3A_14 : i32
      %add3A_16 = arith.addi %mul3A_15, %scan3A_13 : i32
      %mul3A_17 = arith.constant 128 : i32
      %mul3A_18 = arith.muli %add3A_16, %mul3A_17 : i32
      "tpu.region"() ({
        %run_scoped3A = tpu.sem_alloc : memref<!tpu.dma_semaphore, #tpu.memory_space<semaphore_mem>>
        %dma_start3A = tpu.memref_slice %arg2[%mul3A_18] : memref<327680xi32, #tpu.memory_space<hbm>> -> memref<128xi32, #tpu.memory_space<hbm>>
        %dma_start3A_19 = tpu.memref_slice %arg2[%mul3A_18] : memref<327680xi32, #tpu.memory_space<hbm>> -> memref<128xi32, #tpu.memory_space<hbm>>
        tpu.enqueue_dma source(%dma_start3A_19 : memref<128xi32, #tpu.memory_space<hbm>>) target(%arg6 : memref<128xi32, #tpu.memory_space<vmem>>) target_semaphore(%run_scoped3A : memref<!tpu.dma_semaphore, #tpu.memory_space<semaphore_mem>>)
        %dma_wait3A = tpu.memref_slice %arg2[%mul3A_18] : memref<327680xi32, #tpu.memory_space<hbm>> -> memref<128xi32, #tpu.memory_space<hbm>>
        %dma_wait3A_20 = tpu.memref_slice %arg2[%mul3A_18] : memref<327680xi32, #tpu.memory_space<hbm>> -> memref<128xi32, #tpu.memory_space<hbm>>
        tpu.wait_dma2 semaphore(%run_scoped3A : memref<!tpu.dma_semaphore, #tpu.memory_space<semaphore_mem>>) src(%dma_wait3A_20 : memref<128xi32, #tpu.memory_space<hbm>>) dst(%arg6 : memref<128xi32, #tpu.memory_space<vmem>>)
        tpu.yield
      }) : () -> ()
      "tpu.region"() ({
        %run_scoped3A = tpu.sem_alloc : memref<!tpu.dma_semaphore, #tpu.memory_space<semaphore_mem>>
        %dma_start3A = arith.constant 0 : i32
        %dma_start3A_19 = arith.constant 0 : i32
        %dma_start3A_20 = tpu.memref_slice %arg8[%dma_start3A, %dma_start3A_19] : memref<10240x1xf32, #tpu.memory_space<vmem_shared>> -> memref<10240x1xf32, #tpu.memory_space<vmem_shared>>
        tpu.enqueue_indirect_dma source(%arg7 : memref<128x1xf32, #tpu.memory_space<vmem>>) target(%dma_start3A_20 : memref<10240x1xf32, #tpu.memory_space<vmem_shared>>) offsets(%arg6 : memref<128xi32, #tpu.memory_space<vmem>>) semaphore(%run_scoped3A : memref<!tpu.dma_semaphore, #tpu.memory_space<semaphore_mem>>) {add = true}
        %dma_wait3A = arith.constant 0 : i32
        %dma_wait3A_21 = arith.constant 0 : i32
        %dma_wait3A_22 = tpu.memref_slice %arg8[%dma_wait3A, %dma_wait3A_21] : memref<10240x1xf32, #tpu.memory_space<vmem_shared>> -> memref<10240x1xf32, #tpu.memory_space<vmem_shared>>
        tpu.wait_indirect_dma semaphore(%run_scoped3A : memref<!tpu.dma_semaphore, #tpu.memory_space<semaphore_mem>>) src(%arg7 : memref<128x1xf32, #tpu.memory_space<vmem>>) dst(%dma_wait3A_22 : memref<10240x1xf32, #tpu.memory_space<vmem_shared>>)
        tpu.yield
      }) : () -> ()
    }
    %scan3A_7 = arith.constant 80 : i32
    %barrier3A_8 = arith.constant 0 : index
    tpu.barrier barrier_id(%barrier3A_8)
    %mul3A_9 = arith.constant 640 : i32
    %mul3A_10 = arith.muli %arg1, %mul3A_9 : i32
    %mul3A_11 = arith.constant 640 : i32
    %mul3A_12 = arith.muli %arg1, %mul3A_11 : i32
    "tpu.region"() ({
      %run_scoped3A = tpu.sem_alloc : memref<!tpu.dma_semaphore, #tpu.memory_space<semaphore_mem>>
      %dma_start3A = arith.constant 0 : i32
      %dma_start3A_13 = tpu.memref_slice %arg5[%arg0, %mul3A_12, %dma_start3A] : memref<2x10240x1xf32, #tpu.memory_space<hbm>> -> memref<1x640x1xf32, #tpu.memory_space<hbm>>
      %dma_start3A_14 = tpu.memref_squeeze %dma_start3A_13 : memref<1x640x1xf32, #tpu.memory_space<hbm>> -> memref<640x1xf32, #tpu.memory_space<hbm>>
      %dma_start3A_15 = arith.constant 0 : i32
      %dma_start3A_16 = tpu.memref_slice %arg8[%mul3A_10, %dma_start3A_15] : memref<10240x1xf32, #tpu.memory_space<vmem_shared>> -> memref<640x1xf32, #tpu.memory_space<vmem_shared>>
      tpu.enqueue_dma source(%dma_start3A_16 : memref<640x1xf32, #tpu.memory_space<vmem_shared>>) target(%dma_start3A_14 : memref<640x1xf32, #tpu.memory_space<hbm>>) target_semaphore(%run_scoped3A : memref<!tpu.dma_semaphore, #tpu.memory_space<semaphore_mem>>)
      %dma_wait3A = arith.constant 0 : i32
      %dma_wait3A_17 = tpu.memref_slice %arg5[%arg0, %mul3A_12, %dma_wait3A] : memref<2x10240x1xf32, #tpu.memory_space<hbm>> -> memref<1x640x1xf32, #tpu.memory_space<hbm>>
      %dma_wait3A_18 = tpu.memref_squeeze %dma_wait3A_17 : memref<1x640x1xf32, #tpu.memory_space<hbm>> -> memref<640x1xf32, #tpu.memory_space<hbm>>
      %dma_wait3A_19 = arith.constant 0 : i32
      %dma_wait3A_20 = tpu.memref_slice %arg8[%mul3A_10, %dma_wait3A_19] : memref<10240x1xf32, #tpu.memory_space<vmem_shared>> -> memref<640x1xf32, #tpu.memory_space<vmem_shared>>
      tpu.wait_dma2 semaphore(%run_scoped3A : memref<!tpu.dma_semaphore, #tpu.memory_space<semaphore_mem>>) src(%dma_wait3A_20 : memref<640x1xf32, #tpu.memory_space<vmem_shared>>) dst(%dma_wait3A_18 : memref<640x1xf32, #tpu.memory_space<hbm>>)
      tpu.yield
    }) : () -> ()
    return
  }
}

#map = affine_map<(d0, d1) -> (0, 0)>
#map1 = affine_map<(d0, d1) -> (0)>
#map2 = affine_map<(d0, d1) -> (0, 0, 0)>
module attributes {stable_mosaic.version = 14 : i64} {
  func.func @_sc_scatter_rows_body(%arg0: i32, %arg1: i32, %arg2: memref<10240x128xf32, #tpu.memory_space<hbm>>, %arg3: memref<327680xi32, #tpu.memory_space<hbm>>, %arg4: memref<327680xi32, #tpu.memory_space<hbm>>, %arg5: memref<640x128xf32, #tpu.memory_space<hbm>>, %arg6: memref<2x10240x128xf32, #tpu.memory_space<hbm>>, %arg7: memref<128xi32, #tpu.memory_space<vmem>>, %arg8: memref<128xi32, #tpu.memory_space<vmem>>, %arg9: memref<128x128xf32, #tpu.memory_space<vmem>>, %arg10: memref<10240x128xf32, #tpu.memory_space<vmem_shared>>, %arg11: memref<!tpu.dma_semaphore, #tpu.memory_space<semaphore_mem>>) attributes {dimension_semantics = [#tpu.dimension_semantics<core_parallel>, #tpu.dimension_semantics<subcore_parallel>], iteration_bounds = array<i64: 2, 16>, scalar_prefetch = 0 : i64, scratch_operands = 5 : i64, tpu.core_type = #tpu.core_type<sc_vector_subcore>, window_params = [{transform_indices = #map}, {transform_indices = #map1}, {transform_indices = #map1}, {transform_indices = #map}, {transform_indices = #map2}]} {
    %mul3A = arith.constant 16 : i32
    %mul3A_0 = arith.muli %arg0, %mul3A : i32
    %add3A = arith.addi %mul3A_0, %arg1 : i32
    %mul3A_1 = arith.constant 640 : i32
    %mul3A_2 = arith.muli %arg1, %mul3A_1 : i32
    "tpu.region"() ({
      %run_scoped3A = tpu.sem_alloc : memref<!tpu.dma_semaphore, #tpu.memory_space<semaphore_mem>>
      %dma_start3A = arith.constant 0 : i32
      %dma_start3A_13 = tpu.memref_slice %arg10[%mul3A_2, %dma_start3A] : memref<10240x128xf32, #tpu.memory_space<vmem_shared>> -> memref<640x128xf32, #tpu.memory_space<vmem_shared>>
      tpu.enqueue_dma source(%arg5 : memref<640x128xf32, #tpu.memory_space<hbm>>) target(%dma_start3A_13 : memref<640x128xf32, #tpu.memory_space<vmem_shared>>) target_semaphore(%run_scoped3A : memref<!tpu.dma_semaphore, #tpu.memory_space<semaphore_mem>>)
      %dma_wait3A = arith.constant 0 : i32
      %dma_wait3A_14 = tpu.memref_slice %arg10[%mul3A_2, %dma_wait3A] : memref<10240x128xf32, #tpu.memory_space<vmem_shared>> -> memref<640x128xf32, #tpu.memory_space<vmem_shared>>
      tpu.wait_dma2 semaphore(%run_scoped3A : memref<!tpu.dma_semaphore, #tpu.memory_space<semaphore_mem>>) src(%arg5 : memref<640x128xf32, #tpu.memory_space<hbm>>) dst(%dma_wait3A_14 : memref<640x128xf32, #tpu.memory_space<vmem_shared>>)
      tpu.yield
    }) : () -> ()
    %barrier3A = arith.constant 0 : index
    tpu.barrier barrier_id(%barrier3A)
    %scan3A = arith.constant 0 : i32
    %scan3A_3 = arith.constant 0 : i32
    %scan3A_4 = arith.constant 80 : i32
    %scan3A_5 = arith.addi %scan3A_3, %scan3A_4 : i32
    %scan3A_6 = arith.constant 1 : i32
    scf.for %scan3A_13 = %scan3A_3 to %scan3A_5 step %scan3A_6  : i32 {
      %mul3A_14 = arith.constant 80 : i32
      %mul3A_15 = arith.muli %add3A, %mul3A_14 : i32
      %add3A_16 = arith.addi %mul3A_15, %scan3A_13 : i32
      %mul3A_17 = arith.constant 128 : i32
      %mul3A_18 = arith.muli %add3A_16, %mul3A_17 : i32
      "tpu.region"() ({
        %run_scoped3A = tpu.sem_alloc : memref<!tpu.dma_semaphore, #tpu.memory_space<semaphore_mem>>
        %dma_start3A_23 = tpu.memref_slice %arg3[%mul3A_18] : memref<327680xi32, #tpu.memory_space<hbm>> -> memref<128xi32, #tpu.memory_space<hbm>>
        %dma_start3A_24 = tpu.memref_slice %arg3[%mul3A_18] : memref<327680xi32, #tpu.memory_space<hbm>> -> memref<128xi32, #tpu.memory_space<hbm>>
        tpu.enqueue_dma source(%dma_start3A_24 : memref<128xi32, #tpu.memory_space<hbm>>) target(%arg7 : memref<128xi32, #tpu.memory_space<vmem>>) target_semaphore(%run_scoped3A : memref<!tpu.dma_semaphore, #tpu.memory_space<semaphore_mem>>)
        %dma_wait3A_25 = tpu.memref_slice %arg3[%mul3A_18] : memref<327680xi32, #tpu.memory_space<hbm>> -> memref<128xi32, #tpu.memory_space<hbm>>
        %dma_wait3A_26 = tpu.memref_slice %arg3[%mul3A_18] : memref<327680xi32, #tpu.memory_space<hbm>> -> memref<128xi32, #tpu.memory_space<hbm>>
        tpu.wait_dma2 semaphore(%run_scoped3A : memref<!tpu.dma_semaphore, #tpu.memory_space<semaphore_mem>>) src(%dma_wait3A_26 : memref<128xi32, #tpu.memory_space<hbm>>) dst(%arg7 : memref<128xi32, #tpu.memory_space<vmem>>)
        tpu.yield
      }) : () -> ()
      "tpu.region"() ({
        %run_scoped3A = tpu.sem_alloc : memref<!tpu.dma_semaphore, #tpu.memory_space<semaphore_mem>>
        %dma_start3A_23 = tpu.memref_slice %arg4[%mul3A_18] : memref<327680xi32, #tpu.memory_space<hbm>> -> memref<128xi32, #tpu.memory_space<hbm>>
        %dma_start3A_24 = tpu.memref_slice %arg4[%mul3A_18] : memref<327680xi32, #tpu.memory_space<hbm>> -> memref<128xi32, #tpu.memory_space<hbm>>
        tpu.enqueue_dma source(%dma_start3A_24 : memref<128xi32, #tpu.memory_space<hbm>>) target(%arg8 : memref<128xi32, #tpu.memory_space<vmem>>) target_semaphore(%run_scoped3A : memref<!tpu.dma_semaphore, #tpu.memory_space<semaphore_mem>>)
        %dma_wait3A_25 = tpu.memref_slice %arg4[%mul3A_18] : memref<327680xi32, #tpu.memory_space<hbm>> -> memref<128xi32, #tpu.memory_space<hbm>>
        %dma_wait3A_26 = tpu.memref_slice %arg4[%mul3A_18] : memref<327680xi32, #tpu.memory_space<hbm>> -> memref<128xi32, #tpu.memory_space<hbm>>
        tpu.wait_dma2 semaphore(%run_scoped3A : memref<!tpu.dma_semaphore, #tpu.memory_space<semaphore_mem>>) src(%dma_wait3A_26 : memref<128xi32, #tpu.memory_space<hbm>>) dst(%arg8 : memref<128xi32, #tpu.memory_space<vmem>>)
        tpu.yield
      }) : () -> ()
      %dma_start3A = arith.constant 0 : i32
      %dma_start3A_19 = arith.constant 0 : i32
      %dma_start3A_20 = tpu.memref_slice %arg2[%dma_start3A, %dma_start3A_19] : memref<10240x128xf32, #tpu.memory_space<hbm>> -> memref<10240x128xf32, #tpu.memory_space<hbm>>
      tpu.enqueue_indirect_dma source(%dma_start3A_20 : memref<10240x128xf32, #tpu.memory_space<hbm>>) target(%arg9 : memref<128x128xf32, #tpu.memory_space<vmem>>) offsets(%arg7 : memref<128xi32, #tpu.memory_space<vmem>>) semaphore(%arg11 : memref<!tpu.dma_semaphore, #tpu.memory_space<semaphore_mem>>)
      %dma_wait3A = arith.constant 0 : i32
      %dma_wait3A_21 = arith.constant 0 : i32
      %dma_wait3A_22 = tpu.memref_slice %arg2[%dma_wait3A, %dma_wait3A_21] : memref<10240x128xf32, #tpu.memory_space<hbm>> -> memref<10240x128xf32, #tpu.memory_space<hbm>>
      tpu.wait_indirect_dma semaphore(%arg11 : memref<!tpu.dma_semaphore, #tpu.memory_space<semaphore_mem>>) src(%dma_wait3A_22 : memref<10240x128xf32, #tpu.memory_space<hbm>>) dst(%arg9 : memref<128x128xf32, #tpu.memory_space<vmem>>)
      "tpu.region"() ({
        %run_scoped3A = tpu.sem_alloc : memref<!tpu.dma_semaphore, #tpu.memory_space<semaphore_mem>>
        %dma_start3A_23 = arith.constant 0 : i32
        %dma_start3A_24 = arith.constant 0 : i32
        %dma_start3A_25 = tpu.memref_slice %arg10[%dma_start3A_23, %dma_start3A_24] : memref<10240x128xf32, #tpu.memory_space<vmem_shared>> -> memref<10240x128xf32, #tpu.memory_space<vmem_shared>>
        tpu.enqueue_indirect_dma source(%arg9 : memref<128x128xf32, #tpu.memory_space<vmem>>) target(%dma_start3A_25 : memref<10240x128xf32, #tpu.memory_space<vmem_shared>>) offsets(%arg8 : memref<128xi32, #tpu.memory_space<vmem>>) semaphore(%run_scoped3A : memref<!tpu.dma_semaphore, #tpu.memory_space<semaphore_mem>>) {add = true}
        %dma_wait3A_26 = arith.constant 0 : i32
        %dma_wait3A_27 = arith.constant 0 : i32
        %dma_wait3A_28 = tpu.memref_slice %arg10[%dma_wait3A_26, %dma_wait3A_27] : memref<10240x128xf32, #tpu.memory_space<vmem_shared>> -> memref<10240x128xf32, #tpu.memory_space<vmem_shared>>
        tpu.wait_indirect_dma semaphore(%run_scoped3A : memref<!tpu.dma_semaphore, #tpu.memory_space<semaphore_mem>>) src(%arg9 : memref<128x128xf32, #tpu.memory_space<vmem>>) dst(%dma_wait3A_28 : memref<10240x128xf32, #tpu.memory_space<vmem_shared>>)
        tpu.yield
      }) : () -> ()
    }
    %scan3A_7 = arith.constant 80 : i32
    %barrier3A_8 = arith.constant 0 : index
    tpu.barrier barrier_id(%barrier3A_8)
    %mul3A_9 = arith.constant 640 : i32
    %mul3A_10 = arith.muli %arg1, %mul3A_9 : i32
    %mul3A_11 = arith.constant 640 : i32
    %mul3A_12 = arith.muli %arg1, %mul3A_11 : i32
    "tpu.region"() ({
      %run_scoped3A = tpu.sem_alloc : memref<!tpu.dma_semaphore, #tpu.memory_space<semaphore_mem>>
      %dma_start3A = arith.constant 0 : i32
      %dma_start3A_13 = tpu.memref_slice %arg6[%arg0, %mul3A_12, %dma_start3A] : memref<2x10240x128xf32, #tpu.memory_space<hbm>> -> memref<1x640x128xf32, #tpu.memory_space<hbm>>
      %dma_start3A_14 = tpu.memref_squeeze %dma_start3A_13 : memref<1x640x128xf32, #tpu.memory_space<hbm>> -> memref<640x128xf32, #tpu.memory_space<hbm>>
      %dma_start3A_15 = arith.constant 0 : i32
      %dma_start3A_16 = tpu.memref_slice %arg10[%mul3A_10, %dma_start3A_15] : memref<10240x128xf32, #tpu.memory_space<vmem_shared>> -> memref<640x128xf32, #tpu.memory_space<vmem_shared>>
      tpu.enqueue_dma source(%dma_start3A_16 : memref<640x128xf32, #tpu.memory_space<vmem_shared>>) target(%dma_start3A_14 : memref<640x128xf32, #tpu.memory_space<hbm>>) target_semaphore(%run_scoped3A : memref<!tpu.dma_semaphore, #tpu.memory_space<semaphore_mem>>)
      %dma_wait3A = arith.constant 0 : i32
      %dma_wait3A_17 = tpu.memref_slice %arg6[%arg0, %mul3A_12, %dma_wait3A] : memref<2x10240x128xf32, #tpu.memory_space<hbm>> -> memref<1x640x128xf32, #tpu.memory_space<hbm>>
      %dma_wait3A_18 = tpu.memref_squeeze %dma_wait3A_17 : memref<1x640x128xf32, #tpu.memory_space<hbm>> -> memref<640x128xf32, #tpu.memory_space<hbm>>
      %dma_wait3A_19 = arith.constant 0 : i32
      %dma_wait3A_20 = tpu.memref_slice %arg10[%mul3A_10, %dma_wait3A_19] : memref<10240x128xf32, #tpu.memory_space<vmem_shared>> -> memref<640x128xf32, #tpu.memory_space<vmem_shared>>
      tpu.wait_dma2 semaphore(%run_scoped3A : memref<!tpu.dma_semaphore, #tpu.memory_space<semaphore_mem>>) src(%dma_wait3A_20 : memref<640x128xf32, #tpu.memory_space<vmem_shared>>) dst(%dma_wait3A_18 : memref<640x128xf32, #tpu.memory_space<hbm>>)
      tpu.yield
    }) : () -> ()
    return
  }
}

module attributes {stable_mosaic.version = 14 : i64} {
  func.func @_tc1_body(%arg0: i32, %arg1: memref<1280x128xf32, #tpu.memory_space<vmem>>, %arg2: memref<128x128xf32, #tpu.memory_space<vmem>>, %arg3: memref<2x1280x1xf32, #tpu.memory_space<vmem>>, %arg4: memref<1280x128xf32, #tpu.memory_space<vmem>>, %arg5: memref<1280x128xf32, #tpu.memory_space<vmem>>, %arg6: memref<1280x1xf32, #tpu.memory_space<vmem>>, %arg7: memref<1280x1xf32, #tpu.memory_space<vmem>>) attributes {dimension_semantics = [#tpu.dimension_semantics<arbitrary>], iteration_bounds = array<i64: 8>, scalar_prefetch = 0 : i64, scratch_operands = 0 : i64, tpu.core_type = #tpu.core_type<tc>, window_params = [{transform_indices = @transform_0, window_bounds = array<i64: 1280, 128>}, {pipeline_mode = #tpu.pipeline_mode<synchronous>, transform_indices = @transform_1, window_bounds = array<i64: 128, 128>}, {transform_indices = @transform_2, window_bounds = array<i64: 2, 1280, 1>}, {transform_indices = @transform_3, window_bounds = array<i64: 1280, 128>}, {transform_indices = @transform_4, window_bounds = array<i64: 1280, 128>}, {transform_indices = @transform_5, window_bounds = array<i64: 1280, 1>}, {transform_indices = @transform_6, window_bounds = array<i64: 1280, 1>}]} {
    %get3A = arith.constant 0 : index
    %get3A_0 = arith.constant 0 : index
    %get3A_1 = vector.load %arg1[%get3A, %get3A_0] : memref<1280x128xf32, #tpu.memory_space<vmem>>, vector<1280x128xf32>
    %get3A_2 = arith.constant 0 : index
    %get3A_3 = arith.constant 0 : index
    %get3A_4 = vector.load %arg2[%get3A_2, %get3A_3] : memref<128x128xf32, #tpu.memory_space<vmem>>, vector<128x128xf32>
    %dot_general3A = arith.constant dense<0.000000e+00> : vector<1280x128xf32>
    %dot_general3A_5 = tpu.matmul %get3A_1, %get3A_4, %dot_general3A {dimension_numbers = #tpu.dot_dimension_numbers<[1], [0], [0], [1], [0, 0, 1, 1], [], []>, transpose_lhs_hint = false} : vector<1280x128xf32>, vector<128x128xf32>, vector<1280x128xf32> -> vector<1280x128xf32>
    %get3A_6 = arith.constant 0 : index
    %get3A_7 = arith.constant 0 : index
    %get3A_8 = arith.constant 0 : index
    %get3A_9 = vector.load %arg3[%get3A_6, %get3A_7, %get3A_8] : memref<2x1280x1xf32, #tpu.memory_space<vmem>>, vector<1x1280x1xf32>
    %get3A_10 = vector.shape_cast %get3A_9 : vector<1x1280x1xf32> to vector<1280x1xf32>
    %get3A_11 = arith.constant 1 : index
    %get3A_12 = arith.constant 0 : index
    %get3A_13 = arith.constant 0 : index
    %get3A_14 = vector.load %arg3[%get3A_11, %get3A_12, %get3A_13] : memref<2x1280x1xf32, #tpu.memory_space<vmem>>, vector<1x1280x1xf32>
    %get3A_15 = vector.shape_cast %get3A_14 : vector<1x1280x1xf32> to vector<1280x1xf32>
    %add3A = arith.addf %get3A_10, %get3A_15 : vector<1280x1xf32>
    %add3A_16 = arith.constant 1.000000e+00 : f32
    %add3A_17 = vector.broadcast %add3A_16 : f32 to vector<1280x1xf32>
    %add3A_18 = arith.addf %add3A, %add3A_17 : vector<1280x1xf32>
    %rsqrt3A = math.rsqrt %add3A_18 : vector<1280x1xf32>
    %swap3A = arith.constant 0 : index
    %swap3A_19 = arith.constant 0 : index
    %swap3A_20 = vector.load %arg5[%swap3A, %swap3A_19] : memref<1280x128xf32, #tpu.memory_space<vmem>>, vector<1280x128xf32>
    tpu.vector_store %arg5[%swap3A, %swap3A_19], %dot_general3A_5 {strides = array<i32>} : memref<1280x128xf32, #tpu.memory_space<vmem>>, vector<1280x128xf32>,
    %mul3A = vector.broadcast %rsqrt3A : vector<1280x1xf32> to vector<1280x128xf32>
    %mul3A_21 = arith.mulf %dot_general3A_5, %mul3A : vector<1280x128xf32>
    %swap3A_22 = arith.constant 0 : index
    %swap3A_23 = arith.constant 0 : index
    %swap3A_24 = vector.load %arg4[%swap3A_22, %swap3A_23] : memref<1280x128xf32, #tpu.memory_space<vmem>>, vector<1280x128xf32>
    tpu.vector_store %arg4[%swap3A_22, %swap3A_23], %mul3A_21 {strides = array<i32>} : memref<1280x128xf32, #tpu.memory_space<vmem>>, vector<1280x128xf32>,
    %swap3A_25 = arith.constant 0 : index
    %swap3A_26 = arith.constant 0 : index
    %swap3A_27 = vector.load %arg6[%swap3A_25, %swap3A_26] : memref<1280x1xf32, #tpu.memory_space<vmem>>, vector<1280x1xf32>
    tpu.vector_store %arg6[%swap3A_25, %swap3A_26], %rsqrt3A {strides = array<i32>} : memref<1280x1xf32, #tpu.memory_space<vmem>>, vector<1280x1xf32>,
    %max3A = arith.constant 1.000000e+00 : f32
    %max3A_28 = vector.broadcast %max3A : f32 to vector<1280x1xf32>
    %max3A_29 = arith.maximumf %add3A, %max3A_28 : vector<1280x1xf32>
    %div3A = arith.constant 1.000000e+00 : f32
    %div3A_30 = vector.broadcast %div3A : f32 to vector<1280x1xf32>
    %div3A_31 = arith.divf %div3A_30, %max3A_29 : vector<1280x1xf32>
    %swap3A_32 = arith.constant 0 : index
    %swap3A_33 = arith.constant 0 : index
    %swap3A_34 = vector.load %arg7[%swap3A_32, %swap3A_33] : memref<1280x1xf32, #tpu.memory_space<vmem>>, vector<1280x1xf32>
    tpu.vector_store %arg7[%swap3A_32, %swap3A_33], %div3A_31 {strides = array<i32>} : memref<1280x1xf32, #tpu.memory_space<vmem>>, vector<1280x1xf32>,
    return
  }
  func.func @transform_0(%arg0: i32) -> (i32, i32) {
    %c0_i32 = arith.constant 0 : i32
    %c0_i32_0 = arith.constant 0 : i32
    return %arg0, %c0_i32 : i32, i32
  }
  func.func @transform_1(%arg0: i32) -> (i32, i32) {
    %c0_i32 = arith.constant 0 : i32
    %c0_i32_0 = arith.constant 0 : i32
    %c0_i32_1 = arith.constant 0 : i32
    return %c0_i32, %c0_i32_0 : i32, i32
  }
  func.func @transform_2(%arg0: i32) -> (i32, i32, i32) {
    %c0_i32 = arith.constant 0 : i32
    %c0_i32_0 = arith.constant 0 : i32
    %c0_i32_1 = arith.constant 0 : i32
    return %c0_i32, %arg0, %c0_i32_0 : i32, i32, i32
  }
  func.func @transform_3(%arg0: i32) -> (i32, i32) {
    %c0_i32 = arith.constant 0 : i32
    %c0_i32_0 = arith.constant 0 : i32
    return %arg0, %c0_i32 : i32, i32
  }
  func.func @transform_4(%arg0: i32) -> (i32, i32) {
    %c0_i32 = arith.constant 0 : i32
    %c0_i32_0 = arith.constant 0 : i32
    return %arg0, %c0_i32 : i32, i32
  }
  func.func @transform_5(%arg0: i32) -> (i32, i32) {
    %c0_i32 = arith.constant 0 : i32
    %c0_i32_0 = arith.constant 0 : i32
    return %arg0, %c0_i32 : i32, i32
  }
  func.func @transform_6(%arg0: i32) -> (i32, i32) {
    %c0_i32 = arith.constant 0 : i32
    %c0_i32_0 = arith.constant 0 : i32
    return %arg0, %c0_i32 : i32, i32
  }
}

module attributes {stable_mosaic.version = 14 : i64} {
  func.func @_tc2_body(%arg0: i32, %arg1: memref<2x1280x128xf32, #tpu.memory_space<vmem>>, %arg2: memref<1280x128xf32, #tpu.memory_space<vmem>>, %arg3: memref<1280x1xf32, #tpu.memory_space<vmem>>, %arg4: memref<5x128xf32, #tpu.memory_space<vmem>>, %arg5: memref<1280x128xf32, #tpu.memory_space<vmem>>) attributes {dimension_semantics = [#tpu.dimension_semantics<arbitrary>], iteration_bounds = array<i64: 8>, scalar_prefetch = 0 : i64, scratch_operands = 0 : i64, tpu.core_type = #tpu.core_type<tc>, window_params = [{transform_indices = @transform_0, window_bounds = array<i64: 2, 1280, 128>}, {transform_indices = @transform_1, window_bounds = array<i64: 1280, 128>}, {transform_indices = @transform_2, window_bounds = array<i64: 1280, 1>}, {pipeline_mode = #tpu.pipeline_mode<synchronous>, transform_indices = @transform_3, window_bounds = array<i64: 5, 128>}, {transform_indices = @transform_4, window_bounds = array<i64: 1280, 128>}]} {
    %get3A = arith.constant 0 : index
    %get3A_0 = arith.constant 0 : index
    %get3A_1 = arith.constant 0 : index
    %get3A_2 = vector.load %arg1[%get3A, %get3A_0, %get3A_1] : memref<2x1280x128xf32, #tpu.memory_space<vmem>>, vector<1x1280x128xf32>
    %get3A_3 = vector.shape_cast %get3A_2 : vector<1x1280x128xf32> to vector<1280x128xf32>
    %get3A_4 = arith.constant 1 : index
    %get3A_5 = arith.constant 0 : index
    %get3A_6 = arith.constant 0 : index
    %get3A_7 = vector.load %arg1[%get3A_4, %get3A_5, %get3A_6] : memref<2x1280x128xf32, #tpu.memory_space<vmem>>, vector<1x1280x128xf32>
    %get3A_8 = vector.shape_cast %get3A_7 : vector<1x1280x128xf32> to vector<1280x128xf32>
    %add3A = arith.addf %get3A_3, %get3A_8 : vector<1280x128xf32>
    %get3A_9 = arith.constant 0 : index
    %get3A_10 = arith.constant 0 : index
    %get3A_11 = vector.load %arg3[%get3A_9, %get3A_10] : memref<1280x1xf32, #tpu.memory_space<vmem>>, vector<1280x1xf32>
    %mul3A = vector.broadcast %get3A_11 : vector<1280x1xf32> to vector<1280x128xf32>
    %mul3A_12 = arith.mulf %mul3A, %add3A : vector<1280x128xf32>
    %mul3A_13 = arith.mulf %get3A_11, %get3A_11 : vector<1280x1xf32>
    %get3A_14 = arith.constant 0 : index
    %get3A_15 = arith.constant 0 : index
    %get3A_16 = vector.load %arg2[%get3A_14, %get3A_15] : memref<1280x128xf32, #tpu.memory_space<vmem>>, vector<1280x128xf32>
    %mul3A_17 = vector.broadcast %mul3A_13 : vector<1280x1xf32> to vector<1280x128xf32>
    %mul3A_18 = arith.mulf %mul3A_17, %get3A_16 : vector<1280x128xf32>
    %add3A_19 = arith.addf %mul3A_12, %mul3A_18 : vector<1280x128xf32>
    %get3A_20 = arith.constant 0 : index
    %get3A_21 = arith.constant 0 : index
    %get3A_22 = vector.load %arg4[%get3A_20, %get3A_21] : memref<5x128xf32, #tpu.memory_space<vmem>>, vector<1x128xf32>
    %add3A_23 = vector.broadcast %get3A_22 : vector<1x128xf32> to vector<1280x128xf32>
    %add3A_24 = arith.addf %add3A_19, %add3A_23 : vector<1280x128xf32>
    %get3A_25 = arith.constant 1 : index
    %get3A_26 = arith.constant 0 : index
    %get3A_27 = vector.load %arg4[%get3A_25, %get3A_26] : memref<5x128xf32, #tpu.memory_space<vmem>>, vector<1x128xf32>
    %get3A_28 = arith.constant 4 : index
    %get3A_29 = arith.constant 0 : index
    %get3A_30 = vector.load %arg4[%get3A_28, %get3A_29] : memref<5x128xf32, #tpu.memory_space<vmem>>, vector<1x128xf32>
    %add3A_31 = arith.constant 9.99999974E-6 : f32
    %add3A_32 = vector.broadcast %add3A_31 : f32 to vector<1x128xf32>
    %add3A_33 = arith.addf %get3A_30, %add3A_32 : vector<1x128xf32>
    %rsqrt3A = math.rsqrt %add3A_33 : vector<1x128xf32>
    %mul3A_34 = arith.mulf %get3A_27, %rsqrt3A : vector<1x128xf32>
    %get3A_35 = arith.constant 3 : index
    %get3A_36 = arith.constant 0 : index
    %get3A_37 = vector.load %arg4[%get3A_35, %get3A_36] : memref<5x128xf32, #tpu.memory_space<vmem>>, vector<1x128xf32>
    %sub3A = vector.broadcast %get3A_37 : vector<1x128xf32> to vector<1280x128xf32>
    %sub3A_38 = arith.subf %add3A_24, %sub3A : vector<1280x128xf32>
    %mul3A_39 = vector.broadcast %mul3A_34 : vector<1x128xf32> to vector<1280x128xf32>
    %mul3A_40 = arith.mulf %mul3A_39, %sub3A_38 : vector<1280x128xf32>
    %get3A_41 = arith.constant 2 : index
    %get3A_42 = arith.constant 0 : index
    %get3A_43 = vector.load %arg4[%get3A_41, %get3A_42] : memref<5x128xf32, #tpu.memory_space<vmem>>, vector<1x128xf32>
    %add3A_44 = vector.broadcast %get3A_43 : vector<1x128xf32> to vector<1280x128xf32>
    %add3A_45 = arith.addf %mul3A_40, %add3A_44 : vector<1280x128xf32>
    %max3A = arith.constant 0.000000e+00 : f32
    %max3A_46 = vector.broadcast %max3A : f32 to vector<1280x128xf32>
    %max3A_47 = arith.maximumf %add3A_45, %max3A_46 : vector<1280x128xf32>
    %swap3A = arith.constant 0 : index
    %swap3A_48 = arith.constant 0 : index
    %swap3A_49 = vector.load %arg5[%swap3A, %swap3A_48] : memref<1280x128xf32, #tpu.memory_space<vmem>>, vector<1280x128xf32>
    tpu.vector_store %arg5[%swap3A, %swap3A_48], %max3A_47 {strides = array<i32>} : memref<1280x128xf32, #tpu.memory_space<vmem>>, vector<1280x128xf32>,
    return
  }
  func.func @transform_0(%arg0: i32) -> (i32, i32, i32) {
    %c0_i32 = arith.constant 0 : i32
    %c0_i32_0 = arith.constant 0 : i32
    %c0_i32_1 = arith.constant 0 : i32
    return %c0_i32, %arg0, %c0_i32_0 : i32, i32, i32
  }
  func.func @transform_1(%arg0: i32) -> (i32, i32) {
    %c0_i32 = arith.constant 0 : i32
    %c0_i32_0 = arith.constant 0 : i32
    return %arg0, %c0_i32 : i32, i32
  }
  func.func @transform_2(%arg0: i32) -> (i32, i32) {
    %c0_i32 = arith.constant 0 : i32
    %c0_i32_0 = arith.constant 0 : i32
    return %arg0, %c0_i32 : i32, i32
  }
  func.func @transform_3(%arg0: i32) -> (i32, i32) {
    %c0_i32 = arith.constant 0 : i32
    %c0_i32_0 = arith.constant 0 : i32
    %c0_i32_1 = arith.constant 0 : i32
    return %c0_i32, %c0_i32_0 : i32, i32
  }
  func.func @transform_4(%arg0: i32) -> (i32, i32) {
    %c0_i32 = arith.constant 0 : i32
    %c0_i32_0 = arith.constant 0 : i32
    return %arg0, %c0_i32 : i32, i32
  }
}

module attributes {stable_mosaic.version = 14 : i64} {
  func.func @_tc3_body(%arg0: i32, %arg1: memref<2x1280x128xf32, #tpu.memory_space<vmem>>, %arg2: memref<1280x128xf32, #tpu.memory_space<vmem>>, %arg3: memref<1280x1xf32, #tpu.memory_space<vmem>>, %arg4: memref<128x128xf32, #tpu.memory_space<vmem>>, %arg5: memref<128x128xf32, #tpu.memory_space<vmem>>, %arg6: memref<6x128xf32, #tpu.memory_space<vmem>>, %arg7: memref<128x128xf32, #tpu.memory_space<vmem>>, %arg8: memref<128x128xf32, #tpu.memory_space<vmem>>, %arg9: memref<1x128xf32, #tpu.memory_space<vmem>>, %arg10: memref<1280x128xf32, #tpu.memory_space<vmem>>) attributes {dimension_semantics = [#tpu.dimension_semantics<arbitrary>], iteration_bounds = array<i64: 8>, scalar_prefetch = 0 : i64, scratch_operands = 0 : i64, tpu.core_type = #tpu.core_type<tc>, window_params = [{transform_indices = @transform_0, window_bounds = array<i64: 2, 1280, 128>}, {transform_indices = @transform_1, window_bounds = array<i64: 1280, 128>}, {transform_indices = @transform_2, window_bounds = array<i64: 1280, 1>}, {pipeline_mode = #tpu.pipeline_mode<synchronous>, transform_indices = @transform_3, window_bounds = array<i64: 128, 128>}, {pipeline_mode = #tpu.pipeline_mode<synchronous>, transform_indices = @transform_4, window_bounds = array<i64: 128, 128>}, {pipeline_mode = #tpu.pipeline_mode<synchronous>, transform_indices = @transform_5, window_bounds = array<i64: 6, 128>}, {pipeline_mode = #tpu.pipeline_mode<synchronous>, transform_indices = @transform_6, window_bounds = array<i64: 128, 128>}, {pipeline_mode = #tpu.pipeline_mode<synchronous>, transform_indices = @transform_7, window_bounds = array<i64: 128, 128>}, {pipeline_mode = #tpu.pipeline_mode<synchronous>, transform_indices = @transform_8, window_bounds = array<i64: 1, 128>}, {transform_indices = @transform_9, window_bounds = array<i64: 1280, 128>}]} {
    %get3A = arith.constant 0 : index
    %get3A_0 = arith.constant 0 : index
    %get3A_1 = arith.constant 0 : index
    %get3A_2 = vector.load %arg1[%get3A, %get3A_0, %get3A_1] : memref<2x1280x128xf32, #tpu.memory_space<vmem>>, vector<1x1280x128xf32>
    %get3A_3 = vector.shape_cast %get3A_2 : vector<1x1280x128xf32> to vector<1280x128xf32>
    %get3A_4 = arith.constant 1 : index
    %get3A_5 = arith.constant 0 : index
    %get3A_6 = arith.constant 0 : index
    %get3A_7 = vector.load %arg1[%get3A_4, %get3A_5, %get3A_6] : memref<2x1280x128xf32, #tpu.memory_space<vmem>>, vector<1x1280x128xf32>
    %get3A_8 = vector.shape_cast %get3A_7 : vector<1x1280x128xf32> to vector<1280x128xf32>
    %add3A = arith.addf %get3A_3, %get3A_8 : vector<1280x128xf32>
    %get3A_9 = arith.constant 0 : index
    %get3A_10 = arith.constant 0 : index
    %get3A_11 = vector.load %arg3[%get3A_9, %get3A_10] : memref<1280x1xf32, #tpu.memory_space<vmem>>, vector<1280x1xf32>
    %mul3A = vector.broadcast %get3A_11 : vector<1280x1xf32> to vector<1280x128xf32>
    %mul3A_12 = arith.mulf %add3A, %mul3A : vector<1280x128xf32>
    %get3A_13 = arith.constant 0 : index
    %get3A_14 = arith.constant 0 : index
    %get3A_15 = vector.load %arg4[%get3A_13, %get3A_14] : memref<128x128xf32, #tpu.memory_space<vmem>>, vector<128x128xf32>
    %dot_general3A = arith.constant dense<0.000000e+00> : vector<1280x128xf32>
    %dot_general3A_16 = tpu.matmul %mul3A_12, %get3A_15, %dot_general3A {dimension_numbers = #tpu.dot_dimension_numbers<[1], [0], [0], [1], [0, 0, 1, 1], [], []>, transpose_lhs_hint = false} : vector<1280x128xf32>, vector<128x128xf32>, vector<1280x128xf32> -> vector<1280x128xf32>
    %get3A_17 = arith.constant 0 : index
    %get3A_18 = arith.constant 0 : index
    %get3A_19 = vector.load %arg2[%get3A_17, %get3A_18] : memref<1280x128xf32, #tpu.memory_space<vmem>>, vector<1280x128xf32>
    %get3A_20 = arith.constant 0 : index
    %get3A_21 = arith.constant 0 : index
    %get3A_22 = vector.load %arg5[%get3A_20, %get3A_21] : memref<128x128xf32, #tpu.memory_space<vmem>>, vector<128x128xf32>
    %dot_general3A_23 = arith.constant dense<0.000000e+00> : vector<1280x128xf32>
    %dot_general3A_24 = tpu.matmul %get3A_19, %get3A_22, %dot_general3A_23 {dimension_numbers = #tpu.dot_dimension_numbers<[1], [0], [0], [1], [0, 0, 1, 1], [], []>, transpose_lhs_hint = false} : vector<1280x128xf32>, vector<128x128xf32>, vector<1280x128xf32> -> vector<1280x128xf32>
    %add3A_25 = arith.addf %dot_general3A_16, %dot_general3A_24 : vector<1280x128xf32>
    %get3A_26 = arith.constant 0 : index
    %get3A_27 = arith.constant 0 : index
    %get3A_28 = vector.load %arg6[%get3A_26, %get3A_27] : memref<6x128xf32, #tpu.memory_space<vmem>>, vector<1x128xf32>
    %add3A_29 = vector.broadcast %get3A_28 : vector<1x128xf32> to vector<1280x128xf32>
    %add3A_30 = arith.addf %add3A_25, %add3A_29 : vector<1280x128xf32>
    %get3A_31 = arith.constant 1 : index
    %get3A_32 = arith.constant 0 : index
    %get3A_33 = vector.load %arg6[%get3A_31, %get3A_32] : memref<6x128xf32, #tpu.memory_space<vmem>>, vector<1x128xf32>
    %get3A_34 = arith.constant 4 : index
    %get3A_35 = arith.constant 0 : index
    %get3A_36 = vector.load %arg6[%get3A_34, %get3A_35] : memref<6x128xf32, #tpu.memory_space<vmem>>, vector<1x128xf32>
    %add3A_37 = arith.constant 9.99999974E-6 : f32
    %add3A_38 = vector.broadcast %add3A_37 : f32 to vector<1x128xf32>
    %add3A_39 = arith.addf %get3A_36, %add3A_38 : vector<1x128xf32>
    %rsqrt3A = math.rsqrt %add3A_39 : vector<1x128xf32>
    %mul3A_40 = arith.mulf %get3A_33, %rsqrt3A : vector<1x128xf32>
    %get3A_41 = arith.constant 3 : index
    %get3A_42 = arith.constant 0 : index
    %get3A_43 = vector.load %arg6[%get3A_41, %get3A_42] : memref<6x128xf32, #tpu.memory_space<vmem>>, vector<1x128xf32>
    %sub3A = vector.broadcast %get3A_43 : vector<1x128xf32> to vector<1280x128xf32>
    %sub3A_44 = arith.subf %add3A_30, %sub3A : vector<1280x128xf32>
    %mul3A_45 = vector.broadcast %mul3A_40 : vector<1x128xf32> to vector<1280x128xf32>
    %mul3A_46 = arith.mulf %mul3A_45, %sub3A_44 : vector<1280x128xf32>
    %get3A_47 = arith.constant 2 : index
    %get3A_48 = arith.constant 0 : index
    %get3A_49 = vector.load %arg6[%get3A_47, %get3A_48] : memref<6x128xf32, #tpu.memory_space<vmem>>, vector<1x128xf32>
    %add3A_50 = vector.broadcast %get3A_49 : vector<1x128xf32> to vector<1280x128xf32>
    %add3A_51 = arith.addf %mul3A_46, %add3A_50 : vector<1280x128xf32>
    %max3A = arith.constant 0.000000e+00 : f32
    %max3A_52 = vector.broadcast %max3A : f32 to vector<1280x128xf32>
    %max3A_53 = arith.maximumf %add3A_51, %max3A_52 : vector<1280x128xf32>
    %get3A_54 = arith.constant 0 : index
    %get3A_55 = arith.constant 0 : index
    %get3A_56 = vector.load %arg7[%get3A_54, %get3A_55] : memref<128x128xf32, #tpu.memory_space<vmem>>, vector<128x128xf32>
    %dot_general3A_57 = arith.constant dense<0.000000e+00> : vector<1280x128xf32>
    %dot_general3A_58 = tpu.matmul %max3A_53, %get3A_56, %dot_general3A_57 {dimension_numbers = #tpu.dot_dimension_numbers<[1], [0], [0], [1], [0, 0, 1, 1], [], []>, transpose_lhs_hint = false} : vector<1280x128xf32>, vector<128x128xf32>, vector<1280x128xf32> -> vector<1280x128xf32>
    %get3A_59 = arith.constant 5 : index
    %get3A_60 = arith.constant 0 : index
    %get3A_61 = vector.load %arg6[%get3A_59, %get3A_60] : memref<6x128xf32, #tpu.memory_space<vmem>>, vector<1x128xf32>
    %add3A_62 = vector.broadcast %get3A_61 : vector<1x128xf32> to vector<1280x128xf32>
    %add3A_63 = arith.addf %dot_general3A_58, %add3A_62 : vector<1280x128xf32>
    %max3A_64 = arith.constant 0.000000e+00 : f32
    %max3A_65 = vector.broadcast %max3A_64 : f32 to vector<1280x128xf32>
    %max3A_66 = arith.maximumf %add3A_63, %max3A_65 : vector<1280x128xf32>
    %get3A_67 = arith.constant 0 : index
    %get3A_68 = arith.constant 0 : index
    %get3A_69 = vector.load %arg8[%get3A_67, %get3A_68] : memref<128x128xf32, #tpu.memory_space<vmem>>, vector<128x128xf32>
    %dot_general3A_70 = arith.constant dense<0.000000e+00> : vector<1280x128xf32>
    %dot_general3A_71 = tpu.matmul %max3A_66, %get3A_69, %dot_general3A_70 {dimension_numbers = #tpu.dot_dimension_numbers<[1], [0], [0], [1], [0, 0, 1, 1], [], []>, transpose_lhs_hint = false} : vector<1280x128xf32>, vector<128x128xf32>, vector<1280x128xf32> -> vector<1280x128xf32>
    %get3A_72 = arith.constant 0 : index
    %get3A_73 = arith.constant 0 : index
    %get3A_74 = vector.load %arg9[%get3A_72, %get3A_73] : memref<1x128xf32, #tpu.memory_space<vmem>>, vector<1x128xf32>
    %add3A_75 = vector.broadcast %get3A_74 : vector<1x128xf32> to vector<1280x128xf32>
    %add3A_76 = arith.addf %dot_general3A_71, %add3A_75 : vector<1280x128xf32>
    %reduce_max3A = arith.constant dense<0xFF800000> : vector<1280xf32>
    %reduce_max3A_77 = vector.multi_reduction <maximumf>, %add3A_76, %reduce_max3A [1] : vector<1280x128xf32> to vector<1280xf32>
    %broadcast_in_dim3A = vector.shape_cast %reduce_max3A_77 : vector<1280xf32> to vector<1280x1xf32>
    %sub3A_78 = vector.broadcast %broadcast_in_dim3A : vector<1280x1xf32> to vector<1280x128xf32>
    %sub3A_79 = arith.subf %add3A_76, %sub3A_78 : vector<1280x128xf32>
    %exp3A = math.exp %sub3A_79 : vector<1280x128xf32>
    %reduce_sum3A = arith.constant dense<0.000000e+00> : vector<1280xf32>
    %reduce_sum3A_80 = vector.multi_reduction <add>, %exp3A, %reduce_sum3A [1] : vector<1280x128xf32> to vector<1280xf32>
    %broadcast_in_dim3A_81 = vector.shape_cast %reduce_sum3A_80 : vector<1280xf32> to vector<1280x1xf32>
    %log3A = math.log %broadcast_in_dim3A_81 : vector<1280x1xf32>
    %add3A_82 = arith.addf %broadcast_in_dim3A, %log3A : vector<1280x1xf32>
    %sub3A_83 = vector.broadcast %add3A_82 : vector<1280x1xf32> to vector<1280x128xf32>
    %sub3A_84 = arith.subf %add3A_76, %sub3A_83 : vector<1280x128xf32>
    %swap3A = arith.constant 0 : index
    %swap3A_85 = arith.constant 0 : index
    %swap3A_86 = vector.load %arg10[%swap3A, %swap3A_85] : memref<1280x128xf32, #tpu.memory_space<vmem>>, vector<1280x128xf32>
    tpu.vector_store %arg10[%swap3A, %swap3A_85], %sub3A_84 {strides = array<i32>} : memref<1280x128xf32, #tpu.memory_space<vmem>>, vector<1280x128xf32>,
    return
  }
  func.func @transform_0(%arg0: i32) -> (i32, i32, i32) {
    %c0_i32 = arith.constant 0 : i32
    %c0_i32_0 = arith.constant 0 : i32
    %c0_i32_1 = arith.constant 0 : i32
    return %c0_i32, %arg0, %c0_i32_0 : i32, i32, i32
  }
  func.func @transform_1(%arg0: i32) -> (i32, i32) {
    %c0_i32 = arith.constant 0 : i32
    %c0_i32_0 = arith.constant 0 : i32
    return %arg0, %c0_i32 : i32, i32
  }
  func.func @transform_2(%arg0: i32) -> (i32, i32) {
    %c0_i32 = arith.constant 0 : i32
    %c0_i32_0 = arith.constant 0 : i32
    return %arg0, %c0_i32 : i32, i32
  }
  func.func @transform_3(%arg0: i32) -> (i32, i32) {
    %c0_i32 = arith.constant 0 : i32
    %c0_i32_0 = arith.constant 0 : i32
    %c0_i32_1 = arith.constant 0 : i32
    return %c0_i32, %c0_i32_0 : i32, i32
  }
  func.func @transform_4(%arg0: i32) -> (i32, i32) {
    %c0_i32 = arith.constant 0 : i32
    %c0_i32_0 = arith.constant 0 : i32
    %c0_i32_1 = arith.constant 0 : i32
    return %c0_i32, %c0_i32_0 : i32, i32
  }
  func.func @transform_5(%arg0: i32) -> (i32, i32) {
    %c0_i32 = arith.constant 0 : i32
    %c0_i32_0 = arith.constant 0 : i32
    %c0_i32_1 = arith.constant 0 : i32
    return %c0_i32, %c0_i32_0 : i32, i32
  }
  func.func @transform_6(%arg0: i32) -> (i32, i32) {
    %c0_i32 = arith.constant 0 : i32
    %c0_i32_0 = arith.constant 0 : i32
    %c0_i32_1 = arith.constant 0 : i32
    return %c0_i32, %c0_i32_0 : i32, i32
  }
  func.func @transform_7(%arg0: i32) -> (i32, i32) {
    %c0_i32 = arith.constant 0 : i32
    %c0_i32_0 = arith.constant 0 : i32
    %c0_i32_1 = arith.constant 0 : i32
    return %c0_i32, %c0_i32_0 : i32, i32
  }
  func.func @transform_8(%arg0: i32) -> (i32, i32) {
    %c0_i32 = arith.constant 0 : i32
    %c0_i32_0 = arith.constant 0 : i32
    %c0_i32_1 = arith.constant 0 : i32
    return %c0_i32, %c0_i32_0 : i32, i32
  }
  func.func @transform_9(%arg0: i32) -> (i32, i32) {
    %c0_i32 = arith.constant 0 : i32
    %c0_i32_0 = arith.constant 0 : i32
    return %arg0, %c0_i32 : i32, i32
  }
}

</mosaic_0001>

<sc_bundles>
// kernel: kernel.11.cloned.1.call-start
scs
__scs_entry_jumppad:
0x0: {  	(pc) =	sbr.rel $0x88, $3  }
0x1: {  	(tag) =	ssettag $0x0;
	lr =	simm.s32 $0x1  }
0x2: {  	[smem:$0x3F8E] =	sst lr;
	_ =	strace $0xD0000000  }
0x3: {  	_ = 	snop  }
0x4: {  	_ = 	snop  }
0x5: {  	_ = 	snop  }
0x6: {  	_ = 	snop  }
0x7: {  	_ = 	snop  }
__scs_overlays_trampoline_lowered:
0x8: {  	[smem:$0x3F9D] =	sst s0  }
0x9: {  	[smem:$0x3F9E] =	sst s1  }
0xa: {  	[smem:$0x3F9F] =	sst s2  }
0xb: {  	[smem:$0x3FA0] =	sst s3  }
0xc: {  	[smem:$0x3FA1] =	sst s4  }
0xd: {  	[smem:$0x3FA2] =	sst s5  }
0xe: {  	[smem:$0x3FA3] =	sst s6  }
0xf: {  	[smem:$0x3FA4] =	sst s7  }
0x10: {  	[smem:$0x3FA5] =	sst s8  }
0x11: {  	[smem:$0x3FA6] =	sst s9;
	s0 =	simm.s32 @!p0 $0x0  }
0x12: {  	s1 =	sld [smem:$0x3F8C];
	s0 =	simm.s32 @p0 $0x1  }
0x13: {  	[smem:$0x3FA7] =	sst s0;
	s0 =	simm.s32 @!p1 $0x0  }
0x14: {  	s2 =	sld [smem:$0x3F8B];
	s0 =	simm.s32 @p1 $0x1  }
0x15: {  	[smem:$0x3FA8] =	sst s0;
	s0 =	simm.s32 @!p2 $0x0  }
0x16: {  	s3 =	sld [smem:$0x3FDB];
	s0 =	simm.s32 @p2 $0x1  }
0x17: {  	s4 =	simm.s32 $0x1BF5;
	[smem:$0x3FAA] =	sst s0  }
0x18: {  	s0 =	sld [smem:$0x3F8D];
	_ =	swait.ge [sflag:s4], $0x0  }
0x19: {  	s7 =	sld [smem:$0x3F8E]  }
0x1a: {  	s8 =	sadd.s32 $0xFFFFE003, lr  }
0x1b: {  	s9 =	sadd.s32 $0xFFFFFEF7, lr;
	s5 =	simm.s32 $0xFFFFFFFF;
	p2 =	slt.u32 s8, $0xFFFFF086  }
0x1c: {  	p1 =	slt.u32 s9, $0xF7A;
	s5 =	simm.s32 @!p2 $0x0  }
0x1d: {  	s5 =	simm.s32 @p1 $0x1;
	p0 =	seq.s32 s7, s2  }
0x1e: {  	s7 =	smul.u32 @!p0 $0xF7A, s2;
	p2 =	seq.s32 @!p0 s5, $0x0  }
0x1f: {  	s9 =	smul.u32 $0xF7A, s1;
	s8 =	simm.s32 @!p0 $0x1BF5;
	p2 =	por !p2, p0  }
0x20: {  	[sflag:s8] =	ssyncset.s32 @!p0 $0xFFFFF086;
	s6 =	sadd.s32 @!p0 s3, s7;
	s7 =	simm.s32 @!p0 $0x108  }
0x21: {  	s3 =	sadd.s32 s3, s9;
	s6 =	sadd.s32 @!p0 $0x88, s6;
	s7 =	simm.s32 @p2 $0x1082  }
0x22: {  	[simem:s7], [sflag:s8] =	dma.local @!p0 [hbm:s6], $0xF7A  }
0x23: {  	s9 =	sor.u32 $0xD0000000, s2;
	s6 =	simm.s32 $0x108;
	_ =	swait.ge @!p0 [sflag:s8], $0x0  }
0x24: {  	s3 =	sadd.s32 $0x88, s3;
	s6 =	simm.s32 @!p1 $0x1082;
	[sflag:s4] =	ssyncset.s32 $0xFFFFF086  }
0x25: {  	[simem:s6], [sflag:s4] =	dma.local [hbm:s3], $0xF7A  }
0x26: {  	[smem:$0x3F8E] =	sst s1;
	(tag) =	ssettag s2;
	_ =	strace s9  }
0x27: {  	s1 =	sld [smem:$0x3F9E]  }
0x28: {  	s2 =	sld [smem:$0x3F9F]  }
0x29: {  	s4 =	sld [smem:$0x3FA1]  }
0x2a: {  	p0 =	seq.s32 s5, $0x0;
	s5 =	sld [smem:$0x3FA2]  }
0x2b: {  	s6 =	sld [smem:$0x3FA3]  }
0x2c: {  	s7 =	sld [smem:$0x3FA4]  }
0x2d: {  	s3 =	simm.s32 $0x108;
	s8 =	sld [smem:$0x3FA5]  }
0x2e: {  	s3 =	simm.s32 @!p0 $0x1082;
	s9 =	sld [smem:$0x3FA6]  }
0x2f: {  	lr =	sadd.s32 s0, s3;
	s0 =	sld [smem:$0x3F9D]  }
0x30: {  	s3 =	sld [smem:$0x3FA0]  }
0x31: {  	[smem:$0x3FA9] =	sst s10  }
0x32: {  	s10 =	sld [smem:$0x3FA7];
	_ =	sdelay $0x3  }
0x33: {  	p0 =	seq.s32 s10, $0x1;
	s10 =	sld [smem:$0x3FA9];
	_ =	sdelay $0x3  }
0x34: {  	[smem:$0x3FA9] =	sst s10  }
0x35: {  	s10 =	sld [smem:$0x3FA8];
	_ =	sdelay $0x3  }
0x36: {  	p1 =	seq.s32 s10, $0x1;
	s10 =	sld [smem:$0x3FA9];
	_ =	sdelay $0x3  }
0x37: {  	[smem:$0x3FA9] =	sst s10  }
0x38: {  	s10 =	sld [smem:$0x3FAA]  }
0x39: {  	_ = 	snop;
	(pc) =	sbr.ind lr, $3  }
0x3a: {  	_ = 	snop  }
0x3b: {  	_ = 	snop  }
0x3c: {  	p2 =	seq.s32 s10, $0x1;
	s10 =	sld [smem:$0x3FA9]  }
0x3d: {  	_ =	shalt  }
0x3e: {  	_ =	shalt  }
0x3f: {  	_ =	shalt  }
0x40: {  	_ =	shalt  }
0x41: {  	_ =	shalt  }
0x42: {  	_ =	shalt  }
0x43: {  	_ =	shalt  }
0x44: {  	_ =	shalt  }
0x45: {  	_ =	shalt  }
0x46: {  	_ =	shalt  }
0x47: {  	_ =	shalt  }
0x48: {  	_ =	shalt  }
0x49: {  	_ =	shalt  }
0x4a: {  	_ =	shalt  }
0x4b: {  	_ =	shalt  }
0x4c: {  	_ =	shalt  }
0x4d: {  	_ =	shalt  }
0x4e: {  	_ =	shalt  }
0x4f: {  	_ =	shalt  }
0x50: {  	_ =	shalt  }
0x51: {  	_ =	shalt  }
0x52: {  	_ =	shalt  }
0x53: {  	_ =	shalt  }
0x54: {  	_ =	shalt  }
0x55: {  	_ =	shalt  }
0x56: {  	_ =	shalt  }
0x57: {  	_ =	shalt  }
0x58: {  	_ =	shalt  }
0x59: {  	_ =	shalt  }
0x5a: {  	_ =	shalt  }
0x5b: {  	_ =	shalt  }
0x5c: {  	_ =	shalt  }
0x5d: {  	_ =	shalt  }
0x5e: {  	_ =	shalt  }
0x5f: {  	_ =	shalt  }
0x60: {  	_ =	shalt  }
0x61: {  	_ =	shalt  }
0x62: {  	_ =	shalt  }
0x63: {  	_ =	shalt  }
0x64: {  	_ =	shalt  }
0x65: {  	_ =	shalt  }
0x66: {  	_ =	shalt  }
0x67: {  	_ =	shalt  }
0x68: {  	_ =	shalt  }
0x69: {  	_ =	shalt  }
0x6a: {  	_ =	shalt  }
0x6b: {  	_ =	shalt  }
0x6c: {  	_ =	shalt  }
0x6d: {  	_ =	shalt  }
0x6e: {  	_ =	shalt  }
0x6f: {  	_ =	shalt  }
0x70: {  	_ =	shalt  }
0x71: {  	_ =	shalt  }
0x72: {  	_ =	shalt  }
0x73: {  	_ =	shalt  }
0x74: {  	_ =	shalt  }
0x75: {  	_ =	shalt  }
0x76: {  	_ =	shalt  }
0x77: {  	_ =	shalt  }
0x78: {  	_ =	shalt  }
0x79: {  	_ =	shalt  }
0x7a: {  	_ =	shalt  }
0x7b: {  	_ =	shalt  }
0x7c: {  	_ =	shalt  }
0x7d: {  	_ =	shalt  }
0x7e: {  	_ =	shalt  }
0x7f: {  	_ =	shalt  }
0x80: {  	_ =	shalt  }
0x81: {  	_ =	shalt  }
0x82: {  	_ =	shalt  }
0x83: {  	_ =	shalt  }
0x84: {  	_ =	shalt  }
0x85: {  	_ =	shalt  }
0x86: {  	_ =	shalt  }
0x87: {  	_ =	shalt  }
.Lfunc_end0:
.L_simem_size_0:
called_computation.1_lowered:
.L_overlay_start_0:
0x88: {  	s2 =	sld [smem:$0x3FD9]  }
0x89: {  	s3 =	sld [smem:$0x3FFE];
	_ =	sdelay $0x1  }
0x8a: {  	s1 =	srdreg.scid  }
0x8b: {  	s0 =	sand.u32 $0x1, s1  }
0x8c: {  	s17 =	sshll.u32 s0, $0xA;
	s2 =	sadd.s32 s3, s2  }
0x8d: {  	s2 =	sadd.s32 s2, s17  }
0x8e: {  	[smem:$0x3FB5] =	sst s2  }
0x8f: {  	_ = 	snop  }
0x90: {  	s2 =	sld [smem:$0x3FD0];
	(tm) =	ssettm $0x1  }
0x91: {  	s18 =	sld [smem:$0x3FFB];
	_ =	sdelay $0x3  }
0x92: {  	_ =	strace s18  }
0x93: {  	s3 =	sld [smem:$0x3FFC];
	_ =	sdelay $0x3  }
0x94: {  	_ =	strace s3  }
0x95: {  	s3 =	sld [smem:$0x3FFD];
	_ =	sdelay $0x3  }
0x96: {  	_ =	strace s3  }
0x97: {  	_ =	strace $0x8FFFFFFF  }
0x98: {  	s19 =	sld [smem:$0x3FDB];
	_ =	sdelay $0x1  }
0x99: {  	s4 =	simm.s32 $_scs_section_size  }
0x9a: {  	s5 =	simm.s32 $_size__tile_overlayer_lowered;
	s6 =	simm.s32 $_tile_overlayer_lowered  }
0x9b: {  	s22 =	simm.s32 $0x1BFF;
	s21 =	sshll.u32 s6, $0x1;
	s3 =	sadd.s32 s4, s19  }
0x9c: {  	s7 =	simm.s32 $0x0;
	s20 =	sshll.u32 s5, $0x1;
	s5 =	sadd.s32 s21, s3  }
0x9d: {  	[timem:s7], [sflag:s22] =	dma.local [hbm:s5], s20  }
0x9e: {  	_ =	swait.ge [sflag:s22], s20  }
0x9f: {  	s4 =	ssub.s32 $0x0, s20;
	[sflag:s22] =	ssyncset.done $0x0  }
0xa0: {  	[sflag:s22] =	ssyncadd.s32 s4;
	_ =	sdelay $0x1  }
0xa1: {  	s23 =	simm.s32 $0x1B8B  }
0xa2: {  	_ =	swait.ge [sflag:s23], $0x1  }
0xa3: {  	[sflag:s23] =	ssyncset.done $0x0  }
0xa4: {  	s25 =	simm.s32 $0x1B8E;
	s24 =	sld [smem:$0x3FFE];
	[sflag:s23] =	ssyncadd.s32 $0xFFFFFFFF  }
0xa5: {  	s26 =	simm.s32 $execute0_lowered;
	[smem:$0x3FD2] =	sst s25  }
0xa6: {  	s5 =	sshll.u32 s26, $0x1;
	_ =	strace $0x80000049;
	[dreg:$0x1] =	wrdreg $0xFFFFFFFF  }
0xa7: {  	s28 =	simm.s32 $_size_execute0_lowered;
	s3 =	sadd.s32 s3, s5;
	[dreg:$0x0] =	wrdreg $0x0  }
0xa8: {  	s5 =	sshll.u32 s28, $0x1;
	[dreg:$0x2] =	wrdreg s3  }
0xa9: {  	[dreg:$0x3] =	wrdreg s5  }
0xaa: {  	[dreg:$0x4] =	wrdreg $0xC0  }
0xab: {  	_ =	task [dreg:s7], $0x5FFFF  }
0xac: {  	[dreg:$0x1] =	wrdreg $0xFFFFFFFF  }
0xad: {  	[dreg:$0x0] =	wrdreg $0x60  }
0xae: {  	[dreg:$0x2] =	wrdreg s24  }
0xaf: {  	[dreg:$0x3] =	wrdreg s2  }
0xb0: {  	[dreg:$0x4] =	wrdreg $0x41000  }
0xb1: {  	[dreg:$0x5] =	wrdreg $0x9  }
0xb2: {  	_ =	task.clear_ibuf [dreg:s7], $0x6FFFF;
	_ =	strace $0x90000049  }
0xb3: {  	s29 =	simm.s32 $0x9;
	_ =	strace $0x8000004B  }
0xb4: {  	_ =	swait.ge [sflag:s29], $0x1  }
0xb5: {  	[sflag:s29] =	ssyncadd.s32 $0xFFFFFFFF  }
0xb6: {  	_ =	strace $0x9000004B  }
0xb7: {  	_ =	sfence  }
0xb8: {  	s30 =	sld [smem:$0x0];
	_ =	sdelay $0x2  }
0xb9: {  	s31 =	sshll.u32 s1, $0xD;
	s1 =	sshrl.u32 s1, $0x2  }
0xba: {  	s3 =	sand.u32 $0x4000, s31;
	s1 =	sadd.s32 s1, s30  }
0xbb: {  	s0 =	sor.u32 s3, s0;
	s1 =	sshll.u32 s1, $0x11  }
0xbc: {  	s0 =	sor.u32 s1, s0  }
0xbd: {  	s0 =	sadd.s32 $0x8F2B, s0  }
0xbe: {  	[sflag:s0] =	ssyncadd.remote.s32 $0x1  }
0xbf: {  	_ =	sfence.sel $0xFFFF  }
0xc0: {  	[dreg:$0x0] =	wrdreg $0xFFFFFFFF;
	(pc) =	sbr.abs _section_cstart, $3  }
0xc1: {  	[dreg:$0x1] =	wrdreg $0xFFFFFFFF  }
0xc2: {  	_ =	task.clear_ibuf [dreg:s7], $0x2FFFF;
	_ =	strace $0x9FFFFFFF  }
0xc3: {  	(tm) =	ssettm $0x7FFFFFFF  }
tec
execute0_lowered:
.L_overlay_start_1:
0x0: {  	(tag) =	ssettag $0x1  }
0x1: {  	s6 =	rddreg [dreg:$0x0]  }
0x2: {  	s2 =	rddreg [dreg:$0x1];
	s0 =	srdreg.scid  }
0x3: {  	s3 =	rddreg [dreg:$0x2];
	s1 =	stileid.u32  }
0x4: {  	s4 =	simm.s32 $0x0;
	s14 =	simm.s32 $0x100;
	s8 =	smul.u32 $0x14000, s1  }
0x5: {  	s15 =	simm.s32 $0x1;
	s16 =	simm.s32 $0x0;
	s10 =	smul.u32 $0x50000, s1  }
0x6: {  	s7 =	sand.u32 $0x1, s0;
	s0 =	rddreg [dreg:$0x3];
	s11 =	smul.u32 $0x500, s1  }
0x7: {  	[smem:$0x7FF] =	sst s4;
	s30 =	sshll.u32 s1, $0x6;
	s5 =	smul.u32 $0x140000, s7  }
0x8: {  	_ =	strace $0x8000004A;
	s9 =	smul.u32 $0x5000, s7;
	s29 =	ssub.s32 $0x2, s7  }
0x9: {  	s7 =	sshrl.u32 s29, $0x1;
	s10 =	sshrl.u32 s10, $0x2;
	s8 =	sadd.s32 s8, s5  }
0xa: {  	s5 =	sadd.s32 $0x16C00, s6;
	s9 =	sadd.s32 s9, s6;
	s12 =	ssub.s32 s29, s7  }
0xb: {  	s13 =	sadd.s32 s10, s3;
	s8 =	sshrl.u32 s8, $0x3;
	s31 =	sadd.s32 s11, s9  }
0xc: {  	s11 =	sshrl.u32 s13, $0x3;
	s13 =	simm.s32 $0x80;
	s8 =	sadd.s32 s8, s6  }
0xd: {  	s6 =	sor.u32 $0x1C02, s30;
	s9 =	sadd.s32 $0x2C00, s31;
	s10 =	sadd.s32 $0xCC00, s31  }
0xe: {  	s7 =	sadd.s32 $0x3EC00, s8;
	s8 =	smax.u32 s12, $0x1;
	s12 =	simm.s32 $0x2  }
.LBB2_1:
0xf: {  	[spmem:s11], [sflag:s6] =	dma.local [hbm:s2], $0x2800  }
0x10: {  	_ =	swait.ge [sflag:s12], $0x2800  }
0x11: {  	[sflag:s12] =	ssyncset.done $0x0  }
0x12: {  	[sflag:s12] =	ssyncadd.s32 $0xFFFFD800  }
0x13: {  	s17 =	sadd.s32 $0x0, s10;
	[bflag:$0x0] =	sbarrier.arrive $0xFFFF  }
0x14: {  	[tilespmem:s4], [sflag:$0x2] =	stream.linear.gather [hbm4b:s17+s4], $0x80, $0x38;
	[tilespmem:$0x18100] =	vst v63  }
0x15: {  	_ =	swait.ge [sflag:s12], $0x80  }
0x16: {  	[sflag:s12] =	ssyncset.done $0x0  }
0x17: {  	s31 =	sadd.s32 $0x0, s9;
	[sflag:s12] =	ssyncadd.s32 $0xFFFFFF80  }
0x18: {  	[tilespmem:s13], [sflag:$0x2] =	stream.linear.gather [hbm4b:s31+s4], $0x80, $0x38;
	[tilespmem:$0x18100] =	vst v63  }
0x19: {  	_ =	swait.ge [sflag:s12], $0x80  }
0x1a: {  	[sflag:s12] =	ssyncset.done $0x0  }
0x1b: {  	[sflag:s12] =	ssyncadd.s32 $0xFFFFFF80  }
0x1c: {  	[tilespmem:s14], [sflag:$0x1] =	stream.indirect.gather [hbm4b:s5+s13], $0x80, s4, s13, $0xb8;
	[tilespmem:$0x18100] =	vst v63  }
0x1d: {  	_ =	swait.ge [sflag:s15], $0x4000  }
0x1e: {  	[sflag:s15] =	ssyncset.done $0x0  }
0x1f: {  	[sflag:s15] =	ssyncadd.s32 $0xFFFFC000  }
0x20: {  	[spmem:s3] =	stream.indirect.scatter.add.f32 [tilespmem:s14], [sflag:$0x2], $0x80, s13, s13, $0xb8;
	[tilespmem:$0x18100] =	vst v63  }
0x21: {  	_ =	swait.ge [sflag:s12], $0x4000  }
0x22: {  	s18 =	simm.s32 $0x20;
	s17 =	simm.s32 $0x10;
	[sflag:s12] =	ssyncset.done $0x0  }
.LBB2_2:
0x23: {  	s19 =	sadd.s32 s17, s10  }
0x24: {  	[sflag:s12] =	ssyncadd.s32 $0xFFFFC000;
	s20 =	smov.u32 s18;
	s21 =	sadd.s32 $0x10, s18  }
0x25: {  	[tilespmem:s4], [sflag:$0x2] =	stream.linear.gather [hbm4b:s19+s4], $0x80, $0x38;
	[tilespmem:$0x18100] =	vst v63  }
0x26: {  	p0 =	sne.s32 s18, $0x4F0;
	_ =	swait.ge [sflag:s12], $0x80  }
0x27: {  	[sflag:s12] =	ssyncset.done $0x0  }
0x28: {  	s18 =	sadd.s32 s17, s9;
	s17 =	smov.u32 s20;
	[sflag:s12] =	ssyncadd.s32 $0xFFFFFF80  }
0x29: {  	[tilespmem:s13], [sflag:$0x2] =	stream.linear.gather [hbm4b:s18+s4], $0x80, $0x38;
	[tilespmem:$0x18100] =	vst v63  }
0x2a: {  	_ =	swait.ge [sflag:s12], $0x80  }
0x2b: {  	[sflag:s12] =	ssyncset.done $0x0  }
0x2c: {  	[sflag:s12] =	ssyncadd.s32 $0xFFFFFF80  }
0x2d: {  	[tilespmem:s14], [sflag:$0x1] =	stream.indirect.gather [hbm4b:s5+s13], $0x80, s4, s13, $0xb8;
	[tilespmem:$0x18100] =	vst v63  }
0x2e: {  	_ =	swait.ge [sflag:s15], $0x4000  }
.Ltmp0:
0x2f: {  	[sflag:s15] =	ssyncset.done $0x0;
	(pc) =	sbr.rel @p0 .LBB2_2-.Ltmp0, $4  }
0x30: {  	[sflag:s15] =	ssyncadd.s32 $0xFFFFC000  }
0x31: {  	[spmem:s3] =	stream.indirect.scatter.add.f32 [tilespmem:s14], [sflag:$0x2], $0x80, s13, s13, $0xb8;
	[tilespmem:$0x18100] =	vst v63  }
0x32: {  	_ =	swait.ge [sflag:s12], $0x4000  }
0x33: {  	s18 =	smov.u32 s21;
	[sflag:s12] =	ssyncset.done $0x0  }
0x34: {  	s18 =	sadd.s32 s17, s10;
	[sflag:s12] =	ssyncadd.s32 $0xFFFFC000  }
0x35: {  	[tilespmem:s4], [sflag:$0x2] =	stream.linear.gather [hbm4b:s18+s4], $0x80, $0x38;
	[tilespmem:$0x18100] =	vst v63  }
0x36: {  	_ =	swait.ge [sflag:s12], $0x80  }
0x37: {  	[sflag:s12] =	ssyncset.done $0x0  }
0x38: {  	s31 =	sadd.s32 s17, s9;
	[sflag:s12] =	ssyncadd.s32 $0xFFFFFF80  }
0x39: {  	[tilespmem:s13], [sflag:$0x2] =	stream.linear.gather [hbm4b:s31+s4], $0x80, $0x38;
	[tilespmem:$0x18100] =	vst v63  }
0x3a: {  	_ =	swait.ge [sflag:s12], $0x80  }
0x3b: {  	[sflag:s12] =	ssyncset.done $0x0  }
0x3c: {  	[sflag:s12] =	ssyncadd.s32 $0xFFFFFF80  }
0x3d: {  	[tilespmem:s14], [sflag:$0x1] =	stream.indirect.gather [hbm4b:s5+s13], $0x80, s4, s13, $0xb8;
	[tilespmem:$0x18100] =	vst v63  }
0x3e: {  	_ =	swait.ge [sflag:s15], $0x4000  }
0x3f: {  	[sflag:s15] =	ssyncset.done $0x0  }
0x40: {  	[sflag:s15] =	ssyncadd.s32 $0xFFFFC000  }
0x41: {  	[spmem:s3] =	stream.indirect.scatter.add.f32 [tilespmem:s14], [sflag:$0x2], $0x80, s13, s13, $0xb8;
	[tilespmem:$0x18100] =	vst v63  }
0x42: {  	_ =	swait.ge [sflag:s12], $0x4000  }
0x43: {  	s16 =	sadd.s32 $0x1, s16;
	[sflag:s12] =	ssyncset.done $0x0  }
0x44: {  	p0 =	sne.s32 s16, s8;
	[sflag:s12] =	ssyncadd.s32 $0xFFFFC000  }
.Ltmp1:
0x45: {  	[bflag:$0x0] =	sbarrier.arrive $0xFFFF;
	(pc) =	sbr.rel @p0 .LBB2_1-.Ltmp1, $4  }
0x46: {  	[hbm:s7], [sflag:s6] =	dma.local [spmem:s11], $0x2800  }
0x47: {  	_ =	swait.ge [sflag:s12], $0x2800  }
0x48: {  	[sflag:s12] =	ssyncset.done $0x0  }
0x49: {  	[sflag:s12] =	ssyncadd.s32 $0xFFFFD800  }
0x4a: {  	_ =	sfence.sel $0x180000  }
0x4b: {  	[bflag:$0x0] =	sbarrier.arrive $0xFFFF  }
0x4c: {  	p0 =	sne.s32 s1, $0x0;
	_ =	strace $0x9000004A  }
0x4d: {  	s0 =	sadd.s32 @!p0 $0x100000, s0;
	[bflag:$0x2] =	sbarrier.arrive $0xFFFF  }
0x4e: {  	[sflag:s0] =	ssyncadd.tile.s32 @!p0 $0x1;
	_ =	shalt  }
.Lfunc_end2:
_tile_overlayer_lowered:
.L_overlay_start_2:
0x4f: {  	(tag) =	ssettag $0x2  }
0x50: {  	s0 =	rddreg [dreg:$0x0];
	s2 =	stileid.u32  }
0x51: {  	s1 =	rddreg [dreg:$0x1];
	p0 =	sne.s32 s2, $0x0  }
0x52: {  	s3 =	rddreg [dreg:$0x2];
	[bflag:$0x3] =	sbarrier.arrive $0xFFFF;
	s2 =	simm.s32 @!p0 $0x1C02  }
0x53: {  	[timem:s3], [sflag:s2] =	dma.local @!p0 [hbm:s0], s1  }
0x54: {  	s0 =	simm.s32 @!p0 $0x2  }
0x55: {  	_ =	swait.ge @!p0 [sflag:s0], s1  }
0x56: {  	s1 =	ssub.s32 @!p0 $0x0, s1;
	[sflag:s0] =	ssyncset.done @!p0 $0x0  }
0x57: {  	[sflag:s0] =	ssyncadd.s32 @!p0 s1  }
0x58: {  	[bflag:$0x3] =	sbarrier.arrive $0xFFFF  }
0x59: {  	_ =	shalt  }

// kernel: kernel.14.cloned.1.call-start
scs
__scs_entry_jumppad:
0x0: {  	(pc) =	sbr.rel $0x88, $3  }
0x1: {  	(tag) =	ssettag $0x0;
	lr =	simm.s32 $0x1  }
0x2: {  	[smem:$0x3F8E] =	sst lr;
	_ =	strace $0xD0000000  }
0x3: {  	_ = 	snop  }
0x4: {  	_ = 	snop  }
0x5: {  	_ = 	snop  }
0x6: {  	_ = 	snop  }
0x7: {  	_ = 	snop  }
__scs_overlays_trampoline_lowered:
0x8: {  	[smem:$0x3F9D] =	sst s0  }
0x9: {  	[smem:$0x3F9E] =	sst s1  }
0xa: {  	[smem:$0x3F9F] =	sst s2  }
0xb: {  	[smem:$0x3FA0] =	sst s3  }
0xc: {  	[smem:$0x3FA1] =	sst s4  }
0xd: {  	[smem:$0x3FA2] =	sst s5  }
0xe: {  	[smem:$0x3FA3] =	sst s6  }
0xf: {  	[smem:$0x3FA4] =	sst s7  }
0x10: {  	[smem:$0x3FA5] =	sst s8  }
0x11: {  	[smem:$0x3FA6] =	sst s9;
	s0 =	simm.s32 @!p0 $0x0  }
0x12: {  	s1 =	sld [smem:$0x3F8C];
	s0 =	simm.s32 @p0 $0x1  }
0x13: {  	[smem:$0x3FA7] =	sst s0;
	s0 =	simm.s32 @!p1 $0x0  }
0x14: {  	s2 =	sld [smem:$0x3F8B];
	s0 =	simm.s32 @p1 $0x1  }
0x15: {  	[smem:$0x3FA8] =	sst s0;
	s0 =	simm.s32 @!p2 $0x0  }
0x16: {  	s3 =	sld [smem:$0x3FDB];
	s0 =	simm.s32 @p2 $0x1  }
0x17: {  	s4 =	simm.s32 $0x1BF5;
	[smem:$0x3FAA] =	sst s0  }
0x18: {  	s0 =	sld [smem:$0x3F8D];
	_ =	swait.ge [sflag:s4], $0x0  }
0x19: {  	s7 =	sld [smem:$0x3F8E]  }
0x1a: {  	s8 =	sadd.s32 $0xFFFFE003, lr  }
0x1b: {  	s9 =	sadd.s32 $0xFFFFFEF7, lr;
	s5 =	simm.s32 $0xFFFFFFFF;
	p2 =	slt.u32 s8, $0xFFFFF086  }
0x1c: {  	p1 =	slt.u32 s9, $0xF7A;
	s5 =	simm.s32 @!p2 $0x0  }
0x1d: {  	s5 =	simm.s32 @p1 $0x1;
	p0 =	seq.s32 s7, s2  }
0x1e: {  	s7 =	smul.u32 @!p0 $0xF7A, s2;
	p2 =	seq.s32 @!p0 s5, $0x0  }
0x1f: {  	s9 =	smul.u32 $0xF7A, s1;
	s8 =	simm.s32 @!p0 $0x1BF5;
	p2 =	por !p2, p0  }
0x20: {  	[sflag:s8] =	ssyncset.s32 @!p0 $0xFFFFF086;
	s6 =	sadd.s32 @!p0 s3, s7;
	s7 =	simm.s32 @!p0 $0x108  }
0x21: {  	s3 =	sadd.s32 s3, s9;
	s6 =	sadd.s32 @!p0 $0x88, s6;
	s7 =	simm.s32 @p2 $0x1082  }
0x22: {  	[simem:s7], [sflag:s8] =	dma.local @!p0 [hbm:s6], $0xF7A  }
0x23: {  	s9 =	sor.u32 $0xD0000000, s2;
	s6 =	simm.s32 $0x108;
	_ =	swait.ge @!p0 [sflag:s8], $0x0  }
0x24: {  	s3 =	sadd.s32 $0x88, s3;
	s6 =	simm.s32 @!p1 $0x1082;
	[sflag:s4] =	ssyncset.s32 $0xFFFFF086  }
0x25: {  	[simem:s6], [sflag:s4] =	dma.local [hbm:s3], $0xF7A  }
0x26: {  	[smem:$0x3F8E] =	sst s1;
	(tag) =	ssettag s2;
	_ =	strace s9  }
0x27: {  	s1 =	sld [smem:$0x3F9E]  }
0x28: {  	s2 =	sld [smem:$0x3F9F]  }
0x29: {  	s4 =	sld [smem:$0x3FA1]  }
0x2a: {  	p0 =	seq.s32 s5, $0x0;
	s5 =	sld [smem:$0x3FA2]  }
0x2b: {  	s6 =	sld [smem:$0x3FA3]  }
0x2c: {  	s7 =	sld [smem:$0x3FA4]  }
0x2d: {  	s3 =	simm.s32 $0x108;
	s8 =	sld [smem:$0x3FA5]  }
0x2e: {  	s3 =	simm.s32 @!p0 $0x1082;
	s9 =	sld [smem:$0x3FA6]  }
0x2f: {  	lr =	sadd.s32 s0, s3;
	s0 =	sld [smem:$0x3F9D]  }
0x30: {  	s3 =	sld [smem:$0x3FA0]  }
0x31: {  	[smem:$0x3FA9] =	sst s10  }
0x32: {  	s10 =	sld [smem:$0x3FA7];
	_ =	sdelay $0x3  }
0x33: {  	p0 =	seq.s32 s10, $0x1;
	s10 =	sld [smem:$0x3FA9];
	_ =	sdelay $0x3  }
0x34: {  	[smem:$0x3FA9] =	sst s10  }
0x35: {  	s10 =	sld [smem:$0x3FA8];
	_ =	sdelay $0x3  }
0x36: {  	p1 =	seq.s32 s10, $0x1;
	s10 =	sld [smem:$0x3FA9];
	_ =	sdelay $0x3  }
0x37: {  	[smem:$0x3FA9] =	sst s10  }
0x38: {  	s10 =	sld [smem:$0x3FAA]  }
0x39: {  	_ = 	snop;
	(pc) =	sbr.ind lr, $3  }
0x3a: {  	_ = 	snop  }
0x3b: {  	_ = 	snop  }
0x3c: {  	p2 =	seq.s32 s10, $0x1;
	s10 =	sld [smem:$0x3FA9]  }
0x3d: {  	_ =	shalt  }
0x3e: {  	_ =	shalt  }
0x3f: {  	_ =	shalt  }
0x40: {  	_ =	shalt  }
0x41: {  	_ =	shalt  }
0x42: {  	_ =	shalt  }
0x43: {  	_ =	shalt  }
0x44: {  	_ =	shalt  }
0x45: {  	_ =	shalt  }
0x46: {  	_ =	shalt  }
0x47: {  	_ =	shalt  }
0x48: {  	_ =	shalt  }
0x49: {  	_ =	shalt  }
0x4a: {  	_ =	shalt  }
0x4b: {  	_ =	shalt  }
0x4c: {  	_ =	shalt  }
0x4d: {  	_ =	shalt  }
0x4e: {  	_ =	shalt  }
0x4f: {  	_ =	shalt  }
0x50: {  	_ =	shalt  }
0x51: {  	_ =	shalt  }
0x52: {  	_ =	shalt  }
0x53: {  	_ =	shalt  }
0x54: {  	_ =	shalt  }
0x55: {  	_ =	shalt  }
0x56: {  	_ =	shalt  }
0x57: {  	_ =	shalt  }
0x58: {  	_ =	shalt  }
0x59: {  	_ =	shalt  }
0x5a: {  	_ =	shalt  }
0x5b: {  	_ =	shalt  }
0x5c: {  	_ =	shalt  }
0x5d: {  	_ =	shalt  }
0x5e: {  	_ =	shalt  }
0x5f: {  	_ =	shalt  }
0x60: {  	_ =	shalt  }
0x61: {  	_ =	shalt  }
0x62: {  	_ =	shalt  }
0x63: {  	_ =	shalt  }
0x64: {  	_ =	shalt  }
0x65: {  	_ =	shalt  }
0x66: {  	_ =	shalt  }
0x67: {  	_ =	shalt  }
0x68: {  	_ =	shalt  }
0x69: {  	_ =	shalt  }
0x6a: {  	_ =	shalt  }
0x6b: {  	_ =	shalt  }
0x6c: {  	_ =	shalt  }
0x6d: {  	_ =	shalt  }
0x6e: {  	_ =	shalt  }
0x6f: {  	_ =	shalt  }
0x70: {  	_ =	shalt  }
0x71: {  	_ =	shalt  }
0x72: {  	_ =	shalt  }
0x73: {  	_ =	shalt  }
0x74: {  	_ =	shalt  }
0x75: {  	_ =	shalt  }
0x76: {  	_ =	shalt  }
0x77: {  	_ =	shalt  }
0x78: {  	_ =	shalt  }
0x79: {  	_ =	shalt  }
0x7a: {  	_ =	shalt  }
0x7b: {  	_ =	shalt  }
0x7c: {  	_ =	shalt  }
0x7d: {  	_ =	shalt  }
0x7e: {  	_ =	shalt  }
0x7f: {  	_ =	shalt  }
0x80: {  	_ =	shalt  }
0x81: {  	_ =	shalt  }
0x82: {  	_ =	shalt  }
0x83: {  	_ =	shalt  }
0x84: {  	_ =	shalt  }
0x85: {  	_ =	shalt  }
0x86: {  	_ =	shalt  }
0x87: {  	_ =	shalt  }
.Lfunc_end0:
.L_simem_size_0:
called_computation.2_lowered:
.L_overlay_start_0:
0x88: {  	s2 =	sld [smem:$0x3FD9]  }
0x89: {  	s3 =	sld [smem:$0x3FFE];
	_ =	sdelay $0x1  }
0x8a: {  	s1 =	srdreg.scid  }
0x8b: {  	s0 =	sand.u32 $0x1, s1  }
0x8c: {  	s17 =	sshll.u32 s0, $0xA;
	s2 =	sadd.s32 s3, s2  }
0x8d: {  	s2 =	sadd.s32 s2, s17  }
0x8e: {  	[smem:$0x3FB5] =	sst s2  }
0x8f: {  	_ = 	snop  }
0x90: {  	s2 =	sld [smem:$0x3FD0];
	(tm) =	ssettm $0x1  }
0x91: {  	s18 =	sld [smem:$0x3FFB];
	_ =	sdelay $0x3  }
0x92: {  	_ =	strace s18  }
0x93: {  	s3 =	sld [smem:$0x3FFC];
	_ =	sdelay $0x3  }
0x94: {  	_ =	strace s3  }
0x95: {  	s3 =	sld [smem:$0x3FFD];
	_ =	sdelay $0x3  }
0x96: {  	_ =	strace s3  }
0x97: {  	_ =	strace $0x8FFFFFFF  }
0x98: {  	s19 =	sld [smem:$0x3FDB];
	_ =	sdelay $0x1  }
0x99: {  	s4 =	simm.s32 $_scs_section_size  }
0x9a: {  	s5 =	simm.s32 $_size__tile_overlayer_lowered;
	s6 =	simm.s32 $_tile_overlayer_lowered  }
0x9b: {  	s22 =	simm.s32 $0x1BFF;
	s21 =	sshll.u32 s6, $0x1;
	s3 =	sadd.s32 s4, s19  }
0x9c: {  	s7 =	simm.s32 $0x0;
	s20 =	sshll.u32 s5, $0x1;
	s5 =	sadd.s32 s21, s3  }
0x9d: {  	[timem:s7], [sflag:s22] =	dma.local [hbm:s5], s20  }
0x9e: {  	_ =	swait.ge [sflag:s22], s20  }
0x9f: {  	s4 =	ssub.s32 $0x0, s20;
	[sflag:s22] =	ssyncset.done $0x0  }
0xa0: {  	[sflag:s22] =	ssyncadd.s32 s4;
	_ =	sdelay $0x1  }
0xa1: {  	s23 =	simm.s32 $0x1B8B  }
0xa2: {  	_ =	swait.ge [sflag:s23], $0x1  }
0xa3: {  	[sflag:s23] =	ssyncset.done $0x0  }
0xa4: {  	s25 =	simm.s32 $0x1B8E;
	s24 =	sld [smem:$0x3FFE];
	[sflag:s23] =	ssyncadd.s32 $0xFFFFFFFF  }
0xa5: {  	s26 =	simm.s32 $execute0_lowered;
	[smem:$0x3FD2] =	sst s25  }
0xa6: {  	s5 =	sshll.u32 s26, $0x1;
	_ =	strace $0x8000004C;
	[dreg:$0x1] =	wrdreg $0xFFFFFFFF  }
0xa7: {  	s28 =	simm.s32 $_size_execute0_lowered;
	s3 =	sadd.s32 s3, s5;
	[dreg:$0x0] =	wrdreg $0x0  }
0xa8: {  	s5 =	sshll.u32 s28, $0x1;
	[dreg:$0x2] =	wrdreg s3  }
0xa9: {  	[dreg:$0x3] =	wrdreg s5  }
0xaa: {  	[dreg:$0x4] =	wrdreg $0xC0  }
0xab: {  	_ =	task [dreg:s7], $0x5FFFF  }
0xac: {  	[dreg:$0x1] =	wrdreg $0xFFFFFFFF  }
0xad: {  	[dreg:$0x0] =	wrdreg $0x60  }
0xae: {  	[dreg:$0x2] =	wrdreg s24  }
0xaf: {  	[dreg:$0x3] =	wrdreg s2  }
0xb0: {  	[dreg:$0x4] =	wrdreg $0x41000  }
0xb1: {  	[dreg:$0x5] =	wrdreg $0x9  }
0xb2: {  	_ =	task.clear_ibuf [dreg:s7], $0x6FFFF;
	_ =	strace $0x9000004C  }
0xb3: {  	s29 =	simm.s32 $0x9;
	_ =	strace $0x8000004E  }
0xb4: {  	_ =	swait.ge [sflag:s29], $0x1  }
0xb5: {  	[sflag:s29] =	ssyncadd.s32 $0xFFFFFFFF  }
0xb6: {  	_ =	strace $0x9000004E  }
0xb7: {  	_ =	sfence  }
0xb8: {  	s30 =	sld [smem:$0x0];
	_ =	sdelay $0x2  }
0xb9: {  	s31 =	sshll.u32 s1, $0xD;
	s1 =	sshrl.u32 s1, $0x2  }
0xba: {  	s3 =	sand.u32 $0x4000, s31;
	s1 =	sadd.s32 s1, s30  }
0xbb: {  	s0 =	sor.u32 s3, s0;
	s1 =	sshll.u32 s1, $0x11  }
0xbc: {  	s0 =	sor.u32 s1, s0  }
0xbd: {  	s0 =	sadd.s32 $0x8F2B, s0  }
0xbe: {  	[sflag:s0] =	ssyncadd.remote.s32 $0x1  }
0xbf: {  	_ =	sfence.sel $0xFFFF  }
0xc0: {  	[dreg:$0x0] =	wrdreg $0xFFFFFFFF;
	(pc) =	sbr.abs _section_cstart, $3  }
0xc1: {  	[dreg:$0x1] =	wrdreg $0xFFFFFFFF  }
0xc2: {  	_ =	task.clear_ibuf [dreg:s7], $0x2FFFF;
	_ =	strace $0x9FFFFFFF  }
0xc3: {  	(tm) =	ssettm $0x7FFFFFFF  }
tec
execute0_lowered:
.L_overlay_start_1:
0x0: {  	(tag) =	ssettag $0x1  }
0x1: {  	s6 =	rddreg [dreg:$0x0]  }
0x2: {  	s2 =	rddreg [dreg:$0x1];
	s0 =	srdreg.scid  }
0x3: {  	s3 =	rddreg [dreg:$0x2];
	s1 =	stileid.u32  }
0x4: {  	s4 =	simm.s32 $0x0;
	s14 =	simm.s32 $0x100;
	s8 =	smul.u32 $0x14000, s1  }
0x5: {  	s15 =	simm.s32 $0x1;
	s16 =	simm.s32 $0x0;
	s10 =	smul.u32 $0x50000, s1  }
0x6: {  	s7 =	sand.u32 $0x1, s0;
	s0 =	rddreg [dreg:$0x3];
	s11 =	smul.u32 $0x500, s1  }
0x7: {  	[smem:$0x7FF] =	sst s4;
	s30 =	sshll.u32 s1, $0x6;
	s5 =	smul.u32 $0x140000, s7  }
0x8: {  	_ =	strace $0x8000004D;
	s9 =	smul.u32 $0x5000, s7;
	s29 =	ssub.s32 $0x2, s7  }
0x9: {  	s7 =	sshrl.u32 s29, $0x1;
	s10 =	sshrl.u32 s10, $0x2;
	s8 =	sadd.s32 s8, s5  }
0xa: {  	s5 =	sadd.s32 $0x16C00, s6;
	s9 =	sadd.s32 s9, s6;
	s12 =	ssub.s32 s29, s7  }
0xb: {  	s13 =	sadd.s32 s10, s3;
	s8 =	sshrl.u32 s8, $0x3;
	s31 =	sadd.s32 s11, s9  }
0xc: {  	s11 =	sshrl.u32 s13, $0x3;
	s13 =	simm.s32 $0x80;
	s8 =	sadd.s32 s8, s6  }
0xd: {  	s6 =	sor.u32 $0x1C02, s30;
	s9 =	sadd.s32 $0x2C00, s31;
	s10 =	sadd.s32 $0xCC00, s31  }
0xe: {  	s7 =	sadd.s32 $0x3EC00, s8;
	s8 =	smax.u32 s12, $0x1;
	s12 =	simm.s32 $0x2  }
.LBB2_1:
0xf: {  	[spmem:s11], [sflag:s6] =	dma.local [hbm:s2], $0x2800  }
0x10: {  	_ =	swait.ge [sflag:s12], $0x2800  }
0x11: {  	[sflag:s12] =	ssyncset.done $0x0  }
0x12: {  	[sflag:s12] =	ssyncadd.s32 $0xFFFFD800  }
0x13: {  	s17 =	sadd.s32 $0x0, s10;
	[bflag:$0x0] =	sbarrier.arrive $0xFFFF  }
0x14: {  	[tilespmem:s4], [sflag:$0x2] =	stream.linear.gather [hbm4b:s17+s4], $0x80, $0x38;
	[tilespmem:$0x18100] =	vst v63  }
0x15: {  	_ =	swait.ge [sflag:s12], $0x80  }
0x16: {  	[sflag:s12] =	ssyncset.done $0x0  }
0x17: {  	s31 =	sadd.s32 $0x0, s9;
	[sflag:s12] =	ssyncadd.s32 $0xFFFFFF80  }
0x18: {  	[tilespmem:s13], [sflag:$0x2] =	stream.linear.gather [hbm4b:s31+s4], $0x80, $0x38;
	[tilespmem:$0x18100] =	vst v63  }
0x19: {  	_ =	swait.ge [sflag:s12], $0x80  }
0x1a: {  	[sflag:s12] =	ssyncset.done $0x0  }
0x1b: {  	[sflag:s12] =	ssyncadd.s32 $0xFFFFFF80  }
0x1c: {  	[tilespmem:s14], [sflag:$0x1] =	stream.indirect.gather [hbm4b:s5+s13], $0x80, s4, s13, $0xb8;
	[tilespmem:$0x18100] =	vst v63  }
0x1d: {  	_ =	swait.ge [sflag:s15], $0x4000  }
0x1e: {  	[sflag:s15] =	ssyncset.done $0x0  }
0x1f: {  	[sflag:s15] =	ssyncadd.s32 $0xFFFFC000  }
0x20: {  	[spmem:s3] =	stream.indirect.scatter.add.f32 [tilespmem:s14], [sflag:$0x2], $0x80, s13, s13, $0xb8;
	[tilespmem:$0x18100] =	vst v63  }
0x21: {  	_ =	swait.ge [sflag:s12], $0x4000  }
0x22: {  	s18 =	simm.s32 $0x20;
	s17 =	simm.s32 $0x10;
	[sflag:s12] =	ssyncset.done $0x0  }
.LBB2_2:
0x23: {  	s19 =	sadd.s32 s17, s10  }
0x24: {  	[sflag:s12] =	ssyncadd.s32 $0xFFFFC000;
	s20 =	smov.u32 s18;
	s21 =	sadd.s32 $0x10, s18  }
0x25: {  	[tilespmem:s4], [sflag:$0x2] =	stream.linear.gather [hbm4b:s19+s4], $0x80, $0x38;
	[tilespmem:$0x18100] =	vst v63  }
0x26: {  	p0 =	sne.s32 s18, $0x4F0;
	_ =	swait.ge [sflag:s12], $0x80  }
0x27: {  	[sflag:s12] =	ssyncset.done $0x0  }
0x28: {  	s18 =	sadd.s32 s17, s9;
	s17 =	smov.u32 s20;
	[sflag:s12] =	ssyncadd.s32 $0xFFFFFF80  }
0x29: {  	[tilespmem:s13], [sflag:$0x2] =	stream.linear.gather [hbm4b:s18+s4], $0x80, $0x38;
	[tilespmem:$0x18100] =	vst v63  }
0x2a: {  	_ =	swait.ge [sflag:s12], $0x80  }
0x2b: {  	[sflag:s12] =	ssyncset.done $0x0  }
0x2c: {  	[sflag:s12] =	ssyncadd.s32 $0xFFFFFF80  }
0x2d: {  	[tilespmem:s14], [sflag:$0x1] =	stream.indirect.gather [hbm4b:s5+s13], $0x80, s4, s13, $0xb8;
	[tilespmem:$0x18100] =	vst v63  }
0x2e: {  	_ =	swait.ge [sflag:s15], $0x4000  }
.Ltmp0:
0x2f: {  	[sflag:s15] =	ssyncset.done $0x0;
	(pc) =	sbr.rel @p0 .LBB2_2-.Ltmp0, $4  }
0x30: {  	[sflag:s15] =	ssyncadd.s32 $0xFFFFC000  }
0x31: {  	[spmem:s3] =	stream.indirect.scatter.add.f32 [tilespmem:s14], [sflag:$0x2], $0x80, s13, s13, $0xb8;
	[tilespmem:$0x18100] =	vst v63  }
0x32: {  	_ =	swait.ge [sflag:s12], $0x4000  }
0x33: {  	s18 =	smov.u32 s21;
	[sflag:s12] =	ssyncset.done $0x0  }
0x34: {  	s18 =	sadd.s32 s17, s10;
	[sflag:s12] =	ssyncadd.s32 $0xFFFFC000  }
0x35: {  	[tilespmem:s4], [sflag:$0x2] =	stream.linear.gather [hbm4b:s18+s4], $0x80, $0x38;
	[tilespmem:$0x18100] =	vst v63  }
0x36: {  	_ =	swait.ge [sflag:s12], $0x80  }
0x37: {  	[sflag:s12] =	ssyncset.done $0x0  }
0x38: {  	s31 =	sadd.s32 s17, s9;
	[sflag:s12] =	ssyncadd.s32 $0xFFFFFF80  }
0x39: {  	[tilespmem:s13], [sflag:$0x2] =	stream.linear.gather [hbm4b:s31+s4], $0x80, $0x38;
	[tilespmem:$0x18100] =	vst v63  }
0x3a: {  	_ =	swait.ge [sflag:s12], $0x80  }
0x3b: {  	[sflag:s12] =	ssyncset.done $0x0  }
0x3c: {  	[sflag:s12] =	ssyncadd.s32 $0xFFFFFF80  }
0x3d: {  	[tilespmem:s14], [sflag:$0x1] =	stream.indirect.gather [hbm4b:s5+s13], $0x80, s4, s13, $0xb8;
	[tilespmem:$0x18100] =	vst v63  }
0x3e: {  	_ =	swait.ge [sflag:s15], $0x4000  }
0x3f: {  	[sflag:s15] =	ssyncset.done $0x0  }
0x40: {  	[sflag:s15] =	ssyncadd.s32 $0xFFFFC000  }
0x41: {  	[spmem:s3] =	stream.indirect.scatter.add.f32 [tilespmem:s14], [sflag:$0x2], $0x80, s13, s13, $0xb8;
	[tilespmem:$0x18100] =	vst v63  }
0x42: {  	_ =	swait.ge [sflag:s12], $0x4000  }
0x43: {  	s16 =	sadd.s32 $0x1, s16;
	[sflag:s12] =	ssyncset.done $0x0  }
0x44: {  	p0 =	sne.s32 s16, s8;
	[sflag:s12] =	ssyncadd.s32 $0xFFFFC000  }
.Ltmp1:
0x45: {  	[bflag:$0x0] =	sbarrier.arrive $0xFFFF;
	(pc) =	sbr.rel @p0 .LBB2_1-.Ltmp1, $4  }
0x46: {  	[hbm:s7], [sflag:s6] =	dma.local [spmem:s11], $0x2800  }
0x47: {  	_ =	swait.ge [sflag:s12], $0x2800  }
0x48: {  	[sflag:s12] =	ssyncset.done $0x0  }
0x49: {  	[sflag:s12] =	ssyncadd.s32 $0xFFFFD800  }
0x4a: {  	_ =	sfence.sel $0x180000  }
0x4b: {  	[bflag:$0x0] =	sbarrier.arrive $0xFFFF  }
0x4c: {  	p0 =	sne.s32 s1, $0x0;
	_ =	strace $0x9000004D  }
0x4d: {  	s0 =	sadd.s32 @!p0 $0x100000, s0;
	[bflag:$0x2] =	sbarrier.arrive $0xFFFF  }
0x4e: {  	[sflag:s0] =	ssyncadd.tile.s32 @!p0 $0x1;
	_ =	shalt  }
.Lfunc_end2:
_tile_overlayer_lowered:
.L_overlay_start_2:
0x4f: {  	(tag) =	ssettag $0x2  }
0x50: {  	s0 =	rddreg [dreg:$0x0];
	s2 =	stileid.u32  }
0x51: {  	s1 =	rddreg [dreg:$0x1];
	p0 =	sne.s32 s2, $0x0  }
0x52: {  	s3 =	rddreg [dreg:$0x2];
	[bflag:$0x3] =	sbarrier.arrive $0xFFFF;
	s2 =	simm.s32 @!p0 $0x1C02  }
0x53: {  	[timem:s3], [sflag:s2] =	dma.local @!p0 [hbm:s0], s1  }
0x54: {  	s0 =	simm.s32 @!p0 $0x2  }
0x55: {  	_ =	swait.ge @!p0 [sflag:s0], s1  }
0x56: {  	s1 =	ssub.s32 @!p0 $0x0, s1;
	[sflag:s0] =	ssyncset.done @!p0 $0x0  }
0x57: {  	[sflag:s0] =	ssyncadd.s32 @!p0 s1  }
0x58: {  	[bflag:$0x3] =	sbarrier.arrive $0xFFFF  }
0x59: {  	_ =	shalt  }

// kernel: kernel.8.cloned.1.call-start
scs
__scs_entry_jumppad:
0x0: {  	(pc) =	sbr.rel $0x88, $3  }
0x1: {  	(tag) =	ssettag $0x0;
	lr =	simm.s32 $0x1  }
0x2: {  	[smem:$0x3F8E] =	sst lr;
	_ =	strace $0xD0000000  }
0x3: {  	_ = 	snop  }
0x4: {  	_ = 	snop  }
0x5: {  	_ = 	snop  }
0x6: {  	_ = 	snop  }
0x7: {  	_ = 	snop  }
__scs_overlays_trampoline_lowered:
0x8: {  	[smem:$0x3F9D] =	sst s0  }
0x9: {  	[smem:$0x3F9E] =	sst s1  }
0xa: {  	[smem:$0x3F9F] =	sst s2  }
0xb: {  	[smem:$0x3FA0] =	sst s3  }
0xc: {  	[smem:$0x3FA1] =	sst s4  }
0xd: {  	[smem:$0x3FA2] =	sst s5  }
0xe: {  	[smem:$0x3FA3] =	sst s6  }
0xf: {  	[smem:$0x3FA4] =	sst s7  }
0x10: {  	[smem:$0x3FA5] =	sst s8  }
0x11: {  	[smem:$0x3FA6] =	sst s9;
	s0 =	simm.s32 @!p0 $0x0  }
0x12: {  	s1 =	sld [smem:$0x3F8C];
	s0 =	simm.s32 @p0 $0x1  }
0x13: {  	[smem:$0x3FA7] =	sst s0;
	s0 =	simm.s32 @!p1 $0x0  }
0x14: {  	s2 =	sld [smem:$0x3F8B];
	s0 =	simm.s32 @p1 $0x1  }
0x15: {  	[smem:$0x3FA8] =	sst s0;
	s0 =	simm.s32 @!p2 $0x0  }
0x16: {  	s3 =	sld [smem:$0x3FDB];
	s0 =	simm.s32 @p2 $0x1  }
0x17: {  	s4 =	simm.s32 $0x1BF5;
	[smem:$0x3FAA] =	sst s0  }
0x18: {  	s0 =	sld [smem:$0x3F8D];
	_ =	swait.ge [sflag:s4], $0x0  }
0x19: {  	s7 =	sld [smem:$0x3F8E]  }
0x1a: {  	s8 =	sadd.s32 $0xFFFFE003, lr  }
0x1b: {  	s9 =	sadd.s32 $0xFFFFFEF7, lr;
	s5 =	simm.s32 $0xFFFFFFFF;
	p2 =	slt.u32 s8, $0xFFFFF086  }
0x1c: {  	p1 =	slt.u32 s9, $0xF7A;
	s5 =	simm.s32 @!p2 $0x0  }
0x1d: {  	s5 =	simm.s32 @p1 $0x1;
	p0 =	seq.s32 s7, s2  }
0x1e: {  	s7 =	smul.u32 @!p0 $0xF7A, s2;
	p2 =	seq.s32 @!p0 s5, $0x0  }
0x1f: {  	s9 =	smul.u32 $0xF7A, s1;
	s8 =	simm.s32 @!p0 $0x1BF5;
	p2 =	por !p2, p0  }
0x20: {  	[sflag:s8] =	ssyncset.s32 @!p0 $0xFFFFF086;
	s6 =	sadd.s32 @!p0 s3, s7;
	s7 =	simm.s32 @!p0 $0x108  }
0x21: {  	s3 =	sadd.s32 s3, s9;
	s6 =	sadd.s32 @!p0 $0x88, s6;
	s7 =	simm.s32 @p2 $0x1082  }
0x22: {  	[simem:s7], [sflag:s8] =	dma.local @!p0 [hbm:s6], $0xF7A  }
0x23: {  	s9 =	sor.u32 $0xD0000000, s2;
	s6 =	simm.s32 $0x108;
	_ =	swait.ge @!p0 [sflag:s8], $0x0  }
0x24: {  	s3 =	sadd.s32 $0x88, s3;
	s6 =	simm.s32 @!p1 $0x1082;
	[sflag:s4] =	ssyncset.s32 $0xFFFFF086  }
0x25: {  	[simem:s6], [sflag:s4] =	dma.local [hbm:s3], $0xF7A  }
0x26: {  	[smem:$0x3F8E] =	sst s1;
	(tag) =	ssettag s2;
	_ =	strace s9  }
0x27: {  	s1 =	sld [smem:$0x3F9E]  }
0x28: {  	s2 =	sld [smem:$0x3F9F]  }
0x29: {  	s4 =	sld [smem:$0x3FA1]  }
0x2a: {  	p0 =	seq.s32 s5, $0x0;
	s5 =	sld [smem:$0x3FA2]  }
0x2b: {  	s6 =	sld [smem:$0x3FA3]  }
0x2c: {  	s7 =	sld [smem:$0x3FA4]  }
0x2d: {  	s3 =	simm.s32 $0x108;
	s8 =	sld [smem:$0x3FA5]  }
0x2e: {  	s3 =	simm.s32 @!p0 $0x1082;
	s9 =	sld [smem:$0x3FA6]  }
0x2f: {  	lr =	sadd.s32 s0, s3;
	s0 =	sld [smem:$0x3F9D]  }
0x30: {  	s3 =	sld [smem:$0x3FA0]  }
0x31: {  	[smem:$0x3FA9] =	sst s10  }
0x32: {  	s10 =	sld [smem:$0x3FA7];
	_ =	sdelay $0x3  }
0x33: {  	p0 =	seq.s32 s10, $0x1;
	s10 =	sld [smem:$0x3FA9];
	_ =	sdelay $0x3  }
0x34: {  	[smem:$0x3FA9] =	sst s10  }
0x35: {  	s10 =	sld [smem:$0x3FA8];
	_ =	sdelay $0x3  }
0x36: {  	p1 =	seq.s32 s10, $0x1;
	s10 =	sld [smem:$0x3FA9];
	_ =	sdelay $0x3  }
0x37: {  	[smem:$0x3FA9] =	sst s10  }
0x38: {  	s10 =	sld [smem:$0x3FAA]  }
0x39: {  	_ = 	snop;
	(pc) =	sbr.ind lr, $3  }
0x3a: {  	_ = 	snop  }
0x3b: {  	_ = 	snop  }
0x3c: {  	p2 =	seq.s32 s10, $0x1;
	s10 =	sld [smem:$0x3FA9]  }
0x3d: {  	_ =	shalt  }
0x3e: {  	_ =	shalt  }
0x3f: {  	_ =	shalt  }
0x40: {  	_ =	shalt  }
0x41: {  	_ =	shalt  }
0x42: {  	_ =	shalt  }
0x43: {  	_ =	shalt  }
0x44: {  	_ =	shalt  }
0x45: {  	_ =	shalt  }
0x46: {  	_ =	shalt  }
0x47: {  	_ =	shalt  }
0x48: {  	_ =	shalt  }
0x49: {  	_ =	shalt  }
0x4a: {  	_ =	shalt  }
0x4b: {  	_ =	shalt  }
0x4c: {  	_ =	shalt  }
0x4d: {  	_ =	shalt  }
0x4e: {  	_ =	shalt  }
0x4f: {  	_ =	shalt  }
0x50: {  	_ =	shalt  }
0x51: {  	_ =	shalt  }
0x52: {  	_ =	shalt  }
0x53: {  	_ =	shalt  }
0x54: {  	_ =	shalt  }
0x55: {  	_ =	shalt  }
0x56: {  	_ =	shalt  }
0x57: {  	_ =	shalt  }
0x58: {  	_ =	shalt  }
0x59: {  	_ =	shalt  }
0x5a: {  	_ =	shalt  }
0x5b: {  	_ =	shalt  }
0x5c: {  	_ =	shalt  }
0x5d: {  	_ =	shalt  }
0x5e: {  	_ =	shalt  }
0x5f: {  	_ =	shalt  }
0x60: {  	_ =	shalt  }
0x61: {  	_ =	shalt  }
0x62: {  	_ =	shalt  }
0x63: {  	_ =	shalt  }
0x64: {  	_ =	shalt  }
0x65: {  	_ =	shalt  }
0x66: {  	_ =	shalt  }
0x67: {  	_ =	shalt  }
0x68: {  	_ =	shalt  }
0x69: {  	_ =	shalt  }
0x6a: {  	_ =	shalt  }
0x6b: {  	_ =	shalt  }
0x6c: {  	_ =	shalt  }
0x6d: {  	_ =	shalt  }
0x6e: {  	_ =	shalt  }
0x6f: {  	_ =	shalt  }
0x70: {  	_ =	shalt  }
0x71: {  	_ =	shalt  }
0x72: {  	_ =	shalt  }
0x73: {  	_ =	shalt  }
0x74: {  	_ =	shalt  }
0x75: {  	_ =	shalt  }
0x76: {  	_ =	shalt  }
0x77: {  	_ =	shalt  }
0x78: {  	_ =	shalt  }
0x79: {  	_ =	shalt  }
0x7a: {  	_ =	shalt  }
0x7b: {  	_ =	shalt  }
0x7c: {  	_ =	shalt  }
0x7d: {  	_ =	shalt  }
0x7e: {  	_ =	shalt  }
0x7f: {  	_ =	shalt  }
0x80: {  	_ =	shalt  }
0x81: {  	_ =	shalt  }
0x82: {  	_ =	shalt  }
0x83: {  	_ =	shalt  }
0x84: {  	_ =	shalt  }
0x85: {  	_ =	shalt  }
0x86: {  	_ =	shalt  }
0x87: {  	_ =	shalt  }
.Lfunc_end0:
.L_simem_size_0:
called_computation_lowered:
.L_overlay_start_0:
0x88: {  	s2 =	sld [smem:$0x3FD9]  }
0x89: {  	s3 =	sld [smem:$0x3FFE];
	_ =	sdelay $0x1  }
0x8a: {  	s1 =	srdreg.scid  }
0x8b: {  	s0 =	sand.u32 $0x1, s1  }
0x8c: {  	s17 =	sshll.u32 s0, $0xA;
	s2 =	sadd.s32 s3, s2  }
0x8d: {  	s2 =	sadd.s32 s2, s17  }
0x8e: {  	[smem:$0x3FB5] =	sst s2  }
0x8f: {  	_ = 	snop  }
0x90: {  	s2 =	sld [smem:$0x3FD0];
	(tm) =	ssettm $0x1  }
0x91: {  	s18 =	sld [smem:$0x3FFB];
	_ =	sdelay $0x3  }
0x92: {  	_ =	strace s18  }
0x93: {  	s3 =	sld [smem:$0x3FFC];
	_ =	sdelay $0x3  }
0x94: {  	_ =	strace s3  }
0x95: {  	s3 =	sld [smem:$0x3FFD];
	_ =	sdelay $0x3  }
0x96: {  	_ =	strace s3  }
0x97: {  	_ =	strace $0x8FFFFFFF  }
0x98: {  	s19 =	sld [smem:$0x3FDB];
	_ =	sdelay $0x1  }
0x99: {  	s4 =	simm.s32 $_scs_section_size  }
0x9a: {  	s5 =	simm.s32 $_size__tile_overlayer_lowered;
	s6 =	simm.s32 $_tile_overlayer_lowered  }
0x9b: {  	s22 =	simm.s32 $0x1BFF;
	s21 =	sshll.u32 s6, $0x1;
	s3 =	sadd.s32 s4, s19  }
0x9c: {  	s7 =	simm.s32 $0x0;
	s20 =	sshll.u32 s5, $0x1;
	s5 =	sadd.s32 s21, s3  }
0x9d: {  	[timem:s7], [sflag:s22] =	dma.local [hbm:s5], s20  }
0x9e: {  	_ =	swait.ge [sflag:s22], s20  }
0x9f: {  	s4 =	ssub.s32 $0x0, s20;
	[sflag:s22] =	ssyncset.done $0x0  }
0xa0: {  	[sflag:s22] =	ssyncadd.s32 s4;
	_ =	sdelay $0x1  }
0xa1: {  	s23 =	simm.s32 $0x1B8B  }
0xa2: {  	_ =	swait.ge [sflag:s23], $0x1  }
0xa3: {  	[sflag:s23] =	ssyncset.done $0x0  }
0xa4: {  	s25 =	simm.s32 $0x1B8E;
	s24 =	sld [smem:$0x3FFE];
	[sflag:s23] =	ssyncadd.s32 $0xFFFFFFFF  }
0xa5: {  	s26 =	simm.s32 $execute0_lowered;
	[smem:$0x3FD2] =	sst s25  }
0xa6: {  	s5 =	sshll.u32 s26, $0x1;
	_ =	strace $0x80000046;
	[dreg:$0x1] =	wrdreg $0xFFFFFFFF  }
0xa7: {  	s28 =	simm.s32 $_size_execute0_lowered;
	s3 =	sadd.s32 s3, s5;
	[dreg:$0x0] =	wrdreg $0x0  }
0xa8: {  	s5 =	sshll.u32 s28, $0x1;
	[dreg:$0x2] =	wrdreg s3  }
0xa9: {  	[dreg:$0x3] =	wrdreg s5  }
0xaa: {  	[dreg:$0x4] =	wrdreg $0xC0  }
0xab: {  	_ =	task [dreg:s7], $0x5FFFF  }
0xac: {  	[dreg:$0x1] =	wrdreg $0xFFFFFFFF  }
0xad: {  	[dreg:$0x0] =	wrdreg $0x60  }
0xae: {  	[dreg:$0x2] =	wrdreg s24  }
0xaf: {  	[dreg:$0x3] =	wrdreg s2  }
0xb0: {  	[dreg:$0x4] =	wrdreg $0x40800  }
0xb1: {  	[dreg:$0x5] =	wrdreg $0x9  }
0xb2: {  	_ =	task.clear_ibuf [dreg:s7], $0x6FFFF;
	_ =	strace $0x90000046  }
0xb3: {  	s29 =	simm.s32 $0x9;
	_ =	strace $0x80000048  }
0xb4: {  	_ =	swait.ge [sflag:s29], $0x1  }
0xb5: {  	[sflag:s29] =	ssyncadd.s32 $0xFFFFFFFF  }
0xb6: {  	_ =	strace $0x90000048  }
0xb7: {  	_ =	sfence  }
0xb8: {  	s30 =	sld [smem:$0x0];
	_ =	sdelay $0x2  }
0xb9: {  	s31 =	sshll.u32 s1, $0xD;
	s1 =	sshrl.u32 s1, $0x2  }
0xba: {  	s3 =	sand.u32 $0x4000, s31;
	s1 =	sadd.s32 s1, s30  }
0xbb: {  	s0 =	sor.u32 s3, s0;
	s1 =	sshll.u32 s1, $0x11  }
0xbc: {  	s0 =	sor.u32 s1, s0  }
0xbd: {  	s0 =	sadd.s32 $0x8F2B, s0  }
0xbe: {  	[sflag:s0] =	ssyncadd.remote.s32 $0x1  }
0xbf: {  	_ =	sfence.sel $0xFFFF  }
0xc0: {  	[dreg:$0x0] =	wrdreg $0xFFFFFFFF;
	(pc) =	sbr.abs _section_cstart, $3  }
0xc1: {  	[dreg:$0x1] =	wrdreg $0xFFFFFFFF  }
0xc2: {  	_ =	task.clear_ibuf [dreg:s7], $0x2FFFF;
	_ =	strace $0x9FFFFFFF  }
0xc3: {  	(tm) =	ssettm $0x7FFFFFFF  }
tec
execute0_lowered:
.L_overlay_start_1:
0x0: {  	(tag) =	ssettag $0x1  }
0x1: {  	s6 =	rddreg [dreg:$0x0]  }
0x2: {  	s2 =	rddreg [dreg:$0x1];
	s1 =	stileid.u32  }
0x3: {  	s0 =	srdreg.scid;
	s8 =	smul.u32 $0x14000, s1  }
0x4: {  	s3 =	rddreg [dreg:$0x2];
	s4 =	simm.s32 $0x0;
	s10 =	smul.u32 $0x50000, s1  }
0x5: {  	s7 =	sand.u32 $0x1, s0;
	s0 =	rddreg [dreg:$0x3];
	s11 =	smul.u32 $0x500, s1  }
0x6: {  	s13 =	simm.s32 $0x0;
	[smem:$0x7FF] =	sst s4;
	s5 =	smul.u32 $0x140000, s7  }
0x7: {  	s30 =	sshll.u32 s1, $0x6;
	s9 =	smul.u32 $0x5000, s7;
	s29 =	ssub.s32 $0x2, s7  }
0x8: {  	_ =	strace $0x80000047;
	s7 =	sshrl.u32 s29, $0x1;
	s10 =	sshrl.u32 s10, $0x2  }
0x9: {  	s5 =	sadd.s32 s8, s5;
	s26 =	sadd.s32 s9, s6;
	s12 =	ssub.s32 s29, s7  }
0xa: {  	s10 =	sadd.s32 s10, s3;
	s28 =	sshrl.u32 s5, $0x3;
	s5 =	sadd.s32 $0x16C00, s6  }
0xb: {  	s31 =	sadd.s32 s11, s26;
	s8 =	smax.u32 s12, $0x1;
	s10 =	sshrl.u32 s10, $0x3  }
0xc: {  	s11 =	simm.s32 $0x1;
	s12 =	simm.s32 $0x80;
	s9 =	sadd.s32 s28, s6  }
0xd: {  	s6 =	sor.u32 $0x1C01, s30;
	s7 =	sadd.s32 $0x17400, s9;
	s9 =	sadd.s32 $0x2C00, s31  }
.LBB2_1:
0xe: {  	[spmem:s10], [sflag:s6] =	dma.local [hbm:s2], $0x2800  }
0xf: {  	_ =	swait.ge [sflag:s11], $0x2800  }
0x10: {  	[sflag:s11] =	ssyncset.done $0x0  }
0x11: {  	[sflag:s11] =	ssyncadd.s32 $0xFFFFD800  }
0x12: {  	[tilespmem:s12], [sflag:$0x1] =	stream.linear.gather [hbm4b:s5+s4], $0x4000, $0x38;
	[tilespmem:$0x4300] =	vst v63  }
0x13: {  	_ =	swait.ge [sflag:s11], $0x4000  }
0x14: {  	[sflag:s11] =	ssyncset.done $0x0  }
0x15: {  	[sflag:s11] =	ssyncadd.s32 $0xFFFFC000  }
0x16: {  	s14 =	sadd.s32 $0x0, s9;
	[bflag:$0x0] =	sbarrier.arrive $0xFFFF  }
0x17: {  	[tilespmem:s4], [sflag:$0x1] =	stream.linear.gather [hbm4b:s14+s4], $0x80, $0x38;
	[tilespmem:$0x4300] =	vst v63  }
0x18: {  	_ =	swait.ge [sflag:s11], $0x80  }
0x19: {  	[sflag:s11] =	ssyncset.done $0x0  }
0x1a: {  	[sflag:s11] =	ssyncadd.s32 $0xFFFFFF80  }
0x1b: {  	[spmem:s3] =	stream.indirect.scatter.add.f32 [tilespmem:s12], [sflag:$0x1], $0x1, s4, s12, $0xb8;
	[tilespmem:$0x4300] =	vst v63  }
0x1c: {  	_ =	swait.ge [sflag:s11], $0x80  }
0x1d: {  	s15 =	simm.s32 $0x20;
	s14 =	simm.s32 $0x10;
	[sflag:s11] =	ssyncset.done $0x0  }
.LBB2_2:
0x1e: {  	s16 =	sadd.s32 s14, s9  }
0x1f: {  	[sflag:s11] =	ssyncadd.s32 $0xFFFFFF80;
	s14 =	smov.u32 s15;
	s17 =	sadd.s32 $0x10, s15  }
0x20: {  	[tilespmem:s4], [sflag:$0x1] =	stream.linear.gather [hbm4b:s16+s4], $0x80, $0x38;
	[tilespmem:$0x4300] =	vst v63  }
0x21: {  	p0 =	sne.s32 s15, $0x4F0;
	_ =	swait.ge [sflag:s11], $0x80  }
.Ltmp0:
0x22: {  	[sflag:s11] =	ssyncset.done $0x0;
	(pc) =	sbr.rel @p0 .LBB2_2-.Ltmp0, $4  }
0x23: {  	[sflag:s11] =	ssyncadd.s32 $0xFFFFFF80  }
0x24: {  	[spmem:s3] =	stream.indirect.scatter.add.f32 [tilespmem:s12], [sflag:$0x1], $0x1, s4, s12, $0xb8;
	[tilespmem:$0x4300] =	vst v63  }
0x25: {  	_ =	swait.ge [sflag:s11], $0x80  }
0x26: {  	s15 =	smov.u32 s17;
	[sflag:s11] =	ssyncset.done $0x0  }
0x27: {  	s14 =	sadd.s32 s14, s9;
	[sflag:s11] =	ssyncadd.s32 $0xFFFFFF80  }
0x28: {  	[tilespmem:s4], [sflag:$0x1] =	stream.linear.gather [hbm4b:s14+s4], $0x80, $0x38;
	[tilespmem:$0x4300] =	vst v63  }
0x29: {  	_ =	swait.ge [sflag:s11], $0x80  }
0x2a: {  	[sflag:s11] =	ssyncset.done $0x0  }
0x2b: {  	[sflag:s11] =	ssyncadd.s32 $0xFFFFFF80  }
0x2c: {  	[spmem:s3] =	stream.indirect.scatter.add.f32 [tilespmem:s12], [sflag:$0x1], $0x1, s4, s12, $0xb8;
	[tilespmem:$0x4300] =	vst v63  }
0x2d: {  	_ =	swait.ge [sflag:s11], $0x80  }
0x2e: {  	s13 =	sadd.s32 $0x1, s13;
	[sflag:s11] =	ssyncset.done $0x0  }
0x2f: {  	p0 =	sne.s32 s13, s8;
	[sflag:s11] =	ssyncadd.s32 $0xFFFFFF80  }
.Ltmp1:
0x30: {  	[bflag:$0x0] =	sbarrier.arrive $0xFFFF;
	(pc) =	sbr.rel @p0 .LBB2_1-.Ltmp1, $4  }
0x31: {  	[hbm:s7], [sflag:s6] =	dma.local [spmem:s10], $0x2800  }
0x32: {  	_ =	swait.ge [sflag:s11], $0x2800  }
0x33: {  	[sflag:s11] =	ssyncset.done $0x0  }
0x34: {  	[sflag:s11] =	ssyncadd.s32 $0xFFFFD800  }
0x35: {  	_ =	sfence.sel $0x180000  }
0x36: {  	[bflag:$0x0] =	sbarrier.arrive $0xFFFF  }
0x37: {  	p0 =	sne.s32 s1, $0x0;
	_ =	strace $0x90000047  }
0x38: {  	s0 =	sadd.s32 @!p0 $0x100000, s0;
	[bflag:$0x2] =	sbarrier.arrive $0xFFFF  }
0x39: {  	[sflag:s0] =	ssyncadd.tile.s32 @!p0 $0x1;
	_ =	shalt  }
.Lfunc_end2:
_tile_overlayer_lowered:
.L_overlay_start_2:
0x3a: {  	(tag) =	ssettag $0x2  }
0x3b: {  	s0 =	rddreg [dreg:$0x0];
	s2 =	stileid.u32  }
0x3c: {  	s1 =	rddreg [dreg:$0x1];
	p0 =	sne.s32 s2, $0x0  }
0x3d: {  	s3 =	rddreg [dreg:$0x2];
	[bflag:$0x3] =	sbarrier.arrive $0xFFFF;
	s2 =	simm.s32 @!p0 $0x1C01  }
0x3e: {  	[timem:s3], [sflag:s2] =	dma.local @!p0 [hbm:s0], s1  }
0x3f: {  	s0 =	simm.s32 @!p0 $0x1  }
0x40: {  	_ =	swait.ge @!p0 [sflag:s0], s1  }
0x41: {  	s1 =	ssub.s32 @!p0 $0x0, s1;
	[sflag:s0] =	ssyncset.done @!p0 $0x0  }
0x42: {  	[sflag:s0] =	ssyncadd.s32 @!p0 s1  }
0x43: {  	[bflag:$0x3] =	sbarrier.arrive $0xFFFF  }
0x44: {  	_ =	shalt  }

</sc_bundles>
